<compile_context>
chip_gen: v7x
topology: tpu7x:2x2x1
jax: 0.10.2.dev20260603
libtpu: 0.0.44.dev20260713+nightly
codegen_flags: <defaults>
</compile_context>

<pallas_src>
import functools

import numpy as np

import jax
import jax.numpy as jnp
from jax import lax
from jax.experimental import pallas as pl
from jax.experimental.pallas import tpu as pltpu
from jax.experimental.pallas import tpu_sc as plsc

N_NODES = 10000
N_EDGES = 320000
D = 128
N_SPECIES = 5
N_BASIS = 8
MLP_HIDDEN = 64
CUTOFF = 2.0
AVG_NEIGHBORS = 32.0
SOFT_NORM = 100000.0


_BN = 1000


def _node_body(nf_ref, sp_ref, wskip_ref, wup_ref, h_ref, sc_ref):
    nf = nf_ref[...]
    h_ref[...] = jnp.dot(nf, wup_ref[...],
                         preferred_element_type=jnp.float32)
    sp = sp_ref[...]
    acc = jnp.zeros((_BN, D), jnp.float32)
    for s in range(N_SPECIES):
        m = (sp == s).astype(jnp.float32)
        acc = acc + jnp.dot(nf * m, wskip_ref[s],
                            preferred_element_type=jnp.float32)
    sc_ref[...] = acc


def _node_dense(node_feats, specie2d, W_skip, W_up):
    grid = (N_NODES // _BN,)
    return pl.pallas_call(
        _node_body,
        grid=grid,
        in_specs=[
            pl.BlockSpec((_BN, D), lambda i: (i, 0)),
            pl.BlockSpec((_BN, 1), lambda i: (i, 0)),
            pl.BlockSpec((N_SPECIES, D, D), lambda i: (0, 0, 0)),
            pl.BlockSpec((D, D), lambda i: (0, 0)),
        ],
        out_specs=[
            pl.BlockSpec((_BN, D), lambda i: (i, 0)),
            pl.BlockSpec((_BN, D), lambda i: (i, 0)),
        ],
        out_shape=[
            jax.ShapeDtypeStruct((N_NODES, D), jnp.float32),
            jax.ShapeDtypeStruct((N_NODES, D), jnp.float32),
        ],
    )(node_feats, specie2d, W_skip, W_up)



_BE = 2560


def _mix_body(vt_ref, m0t_ref, m1t_ref, m2_ref, mix_ref):
    vt = vt_ref[...]
    v0 = vt[0:1, :]
    v1 = vt[1:2, :]
    v2 = vt[2:3, :]
    l2 = v0 * v0 + v1 * v1 + v2 * v2
    x = jnp.sqrt(l2)
    c = CUTOFF
    xz = x == 0.0
    x_safe = jnp.where(xz, 1.0, x)
    u = (jnp.pi / c) * jnp.minimum(x, c) - (0.5 * jnp.pi)
    t2 = u * u
    s1 = 1.0 + t2 * (-1.0 / 2 + t2 * (1.0 / 24 + t2 * (-1.0 / 720
         + t2 * (1.0 / 40320 + t2 * (-1.0 / 3628800)))))
    c1 = -u * (1.0 + t2 * (-1.0 / 6 + t2 * (1.0 / 120 + t2 * (-1.0 / 5040
         + t2 * (1.0 / 362880 + t2 * (-1.0 / 39916800))))))
    tt = jnp.clip(x / c, 0.0, 1.0)
    env = 1.0 - 10.0 * tt ** 3 + 15.0 * tt ** 4 - 6.0 * tt ** 5
    sq2c = jnp.sqrt(2.0 / c)
    kk = sq2c * env / x_safe
    two_c1 = 2.0 * c1
    s_prev = jnp.zeros_like(s1)
    s_cur = s1
    cols = []
    for n in range(1, N_BASIS + 1):
        lim_n = sq2c * n * jnp.pi / c
        cols.append(jnp.where(xz, lim_n, s_cur * kk))
        s_prev, s_cur = s_cur, two_c1 * s_cur - s_prev
    radt = jnp.concatenate(cols, axis=0)
    mt = jax.nn.gelu(jnp.dot(m0t_ref[...], radt,
                             preferred_element_type=jnp.float32))
    mt = jax.nn.gelu(jnp.dot(m1t_ref[...], mt,
                             preferred_element_type=jnp.float32))
    mt = jnp.where(xz, 0.0, mt)
    tr = (((0,), (0,)), ((), ()))
    mix_ref[...] = lax.dot_general(mt, m2_ref[...], tr,
                                   preferred_element_type=jnp.float32)


def _edge_mix(vectors_t, M0t, M1t, M2):
    grid = (N_EDGES // _BE,)
    return pl.pallas_call(
        _mix_body,
        grid=grid,
        in_specs=[
            pl.BlockSpec((3, _BE), lambda i: (0, i)),
            pl.BlockSpec((MLP_HIDDEN, N_BASIS), lambda i: (0, 0)),
            pl.BlockSpec((MLP_HIDDEN, MLP_HIDDEN), lambda i: (0, 0)),
            pl.BlockSpec((MLP_HIDDEN, D), lambda i: (0, 0)),
        ],
        out_specs=pl.BlockSpec((_BE, D), lambda i: (i, 0)),
        out_shape=jax.ShapeDtypeStruct((N_EDGES, D), jnp.float32),
    )(vectors_t, M0t, M1t, M2)



_NW = 32
_NS = 16
_EPT = N_EDGES // _NW
_C = 40
_NCHUNK = _EPT // _C


def _sc_body(h_hbm, mix_hbm, snd_hbm, rcv_hbm, zeros_hbm, out_hbm,
             snd_all, rcv_all, rows, mixb, prod,
             agg_sh, sem_g0, sem_g1, sem_m0, sem_m1):
    c = lax.axis_index("c")
    s = lax.axis_index("s")
    wid = c * _NS + s

    @pl.when(s == 0)
    def _init():
        pltpu.sync_copy(zeros_hbm, agg_sh)

    ebase = wid * _EPT
    pltpu.sync_copy(snd_hbm.at[pl.ds(ebase, _EPT)], snd_all)
    pltpu.sync_copy(rcv_hbm.at[pl.ds(ebase, _EPT)], rcv_all)
    plsc.subcore_barrier()

    sem_g = (sem_g0, sem_g1)
    sem_m = (sem_m0, sem_m1)

    def start(k, b):
        off = pl.multiple_of(k * _C, 8)
        pltpu.async_copy(h_hbm.at[snd_all.at[pl.ds(off, _C)]],
                         rows.at[b], sem_g[b])
        pltpu.async_copy(mix_hbm.at[pl.ds(ebase + k * _C, _C)],
                         mixb.at[b], sem_m[b])

    def compute(k, b):
        pltpu.make_async_copy(h_hbm.at[pl.ds(0, _C)], rows.at[b],
                              sem_g[b]).wait()
        pltpu.make_async_copy(mix_hbm.at[pl.ds(0, _C)], mixb.at[b],
                              sem_m[b]).wait()

        def mul_row(r, cy):
            for g in range(D // 16):
                prod[r, pl.ds(16 * g, 16)] = (
                    rows[b, r, pl.ds(16 * g, 16)]
                    * mixb[b, r, pl.ds(16 * g, 16)])
            return cy

        lax.fori_loop(0, _C, mul_row, 0)
        off = pl.multiple_of(k * _C, 8)
        pltpu.sync_copy(prod, agg_sh.at[rcv_all.at[pl.ds(off, _C)]],
                        add=True)

    start(0, 0)
    start(1, 1)

    def pair(i, cy):
        for b in range(2):
            k = 2 * i + b
            compute(k, b)

            @pl.when(k + 2 < _NCHUNK)
            def _next():
                start(k + 2, b)

        return cy

    lax.fori_loop(0, _NCHUNK // 2, pair, 0)
    plsc.subcore_barrier()

    @pl.when(s == 0)
    def _publish():
        pltpu.sync_copy(agg_sh, out_hbm.at[pl.ds(c * N_NODES, N_NODES)])


def _sc_scatter(h, mix, senders, receivers, zeros):
    mesh = plsc.VectorSubcoreMesh(core_axis_name="c", subcore_axis_name="s")
    kern = functools.partial(
        pl.kernel,
        mesh=mesh,
        out_type=jax.ShapeDtypeStruct((2 * N_NODES, D), jnp.float32),
        scratch_types=[
            pltpu.VMEM((_EPT,), jnp.int32),
            pltpu.VMEM((_EPT,), jnp.int32),
            pltpu.VMEM((2, _C, D), jnp.float32),
            pltpu.VMEM((2, _C, D), jnp.float32),
            pltpu.VMEM((_C, D), jnp.float32),
            pltpu.VMEM_SHARED((N_NODES, D), jnp.float32),
            pltpu.SemaphoreType.DMA,
            pltpu.SemaphoreType.DMA,
            pltpu.SemaphoreType.DMA,
            pltpu.SemaphoreType.DMA,
        ],
    )(_sc_body)
    return kern(h, mix, senders, receivers, zeros)




def _post_body(p_ref, scon_ref, wd_ref, wo_ref, out_ref):
    p = p_ref[...]
    agg = (p[0] + p[1]) * (1.0 / jnp.sqrt(AVG_NEIGHBORS))
    t = jax.nn.gelu(jnp.dot(agg, wd_ref[...], preferred_element_type=jnp.float32))
    t = jnp.dot(t, wo_ref[...], preferred_element_type=jnp.float32)
    n = jnp.sqrt(jnp.sum(t * t, axis=1, keepdims=True)) / SOFT_NORM
    n_safe = jnp.where(n > 0.0, n, 1.0)
    sus = jnp.where(n > 0.0, jnp.exp(-1.0 / n_safe), 0.0)
    phi = 1.0 / (1.0 + n * sus)
    out_ref[...] = 0.9 * scon_ref[...] + 0.45 * (t * phi)


def _post(parts, scon, W_down, W_out):
    grid = (N_NODES // _BN,)
    return pl.pallas_call(
        _post_body,
        grid=grid,
        in_specs=[
            pl.BlockSpec((2, _BN, D), lambda i: (0, i, 0)),
            pl.BlockSpec((_BN, D), lambda i: (i, 0)),
            pl.BlockSpec((D, D), lambda i: (0, 0)),
            pl.BlockSpec((D, D), lambda i: (0, 0)),
        ],
        out_specs=pl.BlockSpec((_BN, D), lambda i: (i, 0)),
        out_shape=jax.ShapeDtypeStruct((N_NODES, D), jnp.float32),
    )(parts, scon, W_down, W_out)




def kernel(vectors, node_feats, node_specie, senders, receivers,
           W_skip, W_up, M0, M1, M2, W_down, W_out):
    specie2d = node_specie.astype(jnp.int32).reshape(N_NODES, 1)
    h, scon = _node_dense(node_feats, specie2d, W_skip, W_up)
    mix = _edge_mix(vectors.T, M0.T, M1.T, M2)
    zeros = jnp.zeros((N_NODES, D), jnp.float32)
    parts = _sc_scatter(h, mix, senders.astype(jnp.int32),
                        receivers.astype(jnp.int32), zeros)
    return _post(parts.reshape(2, N_NODES, D), scon, W_down, W_out)

# --- scband reference (transcript-rebuilt; emitter-appended) ---
"""Pipeline reference for scband-mario-nette-layer-flax-82729660055745 (READ-ONLY COPY).

The authoritative reference and input builder live on the scoring server;
editing this copy changes nothing except your own understanding.
"""

import jax, jax.numpy as jnp
import numpy as np

N_NODES = 10000
N_EDGES = 320000
D = 128
N_SPECIES = 5
N_BASIS = 8
MLP_HIDDEN = 64
CUTOFF = 2.0
AVG_NEIGHBORS = 32.0
SOFT_NORM = 100000.0


def _bessel(x, n_basis, c):
    x = x[:, None]
    ns = jnp.arange(1, n_basis + 1, dtype=jnp.float32)
    x_safe = jnp.where(x == 0.0, 1.0, x)
    vals = jnp.sqrt(2.0 / c) * jnp.sin(ns * jnp.pi * x / c) / x_safe
    lim = jnp.sqrt(2.0 / c) * ns * jnp.pi / c
    return jnp.where(x == 0.0, lim, vals)


def _envelope(x, c):
    t = jnp.clip(x / c, 0.0, 1.0)
    return 1.0 - 10.0 * t ** 3 + 15.0 * t ** 4 - 6.0 * t ** 5


def _sus(x):
    x_safe = jnp.where(x > 0.0, x, 1.0)
    return jnp.where(x > 0.0, jnp.exp(-1.0 / x_safe), 0.0)


def setup_inputs(seed: int = 0) -> dict:
    key = jax.random.key(seed)
    ks = jax.random.split(key, 12)
    vectors = jax.random.normal(ks[0], (N_EDGES, 3), dtype=jnp.float32)
    node_feats = jax.random.normal(ks[1], (N_NODES, D), dtype=jnp.float32)
    node_specie = jax.random.randint(ks[2], (N_NODES,), 0, N_SPECIES)
    senders = jax.random.randint(ks[3], (N_EDGES,), 0, N_NODES)
    receivers = jax.random.randint(ks[4], (N_EDGES,), 0, N_NODES)
    s = 1.0 / np.sqrt(D)
    W_skip = jax.random.normal(ks[5], (N_SPECIES, D, D), dtype=jnp.float32) * s
    W_up = jax.random.normal(ks[6], (D, D), dtype=jnp.float32) * s
    M0 = jax.random.normal(ks[7], (N_BASIS, MLP_HIDDEN), dtype=jnp.float32) * (1.0 / np.sqrt(N_BASIS))
    M1 = jax.random.normal(ks[8], (MLP_HIDDEN, MLP_HIDDEN), dtype=jnp.float32) * (1.0 / np.sqrt(MLP_HIDDEN))
    M2 = jax.random.normal(ks[9], (MLP_HIDDEN, D), dtype=jnp.float32) * (1.0 / np.sqrt(MLP_HIDDEN))
    W_down = jax.random.normal(ks[10], (D, D), dtype=jnp.float32) * s
    W_out = jax.random.normal(ks[11], (D, D), dtype=jnp.float32) * s
    return {"vectors": vectors, "node_feats": node_feats, "node_specie": node_specie,
            "senders": senders, "receivers": receivers, "W_skip": W_skip, "W_up": W_up,
            "M0": M0, "M1": M1, "M2": M2, "W_down": W_down, "W_out": W_out}


def reference(vectors, node_feats, node_specie, senders, receivers,
              W_skip, W_up, M0, M1, M2, W_down, W_out):
    # species-indexed self connection (skip_tp): per-node linear indexed by species
    all_sc = jnp.einsum('nd,sde->nse', node_feats, W_skip)
    self_connection = jnp.take_along_axis(all_sc, node_specie[:, None, None], axis=1)[:, 0, :]
    # linear_up
    h = node_feats @ W_up
    # gather messages from sender nodes
    messages = h[senders]
    # radial MLP on edge lengths (bessel basis * smooth envelope)
    lengths = jnp.linalg.norm(vectors, axis=1)
    radial = _bessel(lengths, N_BASIS, CUTOFF) * _envelope(lengths, CUTOFF)[:, None]
    m = jax.nn.gelu(radial @ M0)
    m = jax.nn.gelu(m @ M1)
    mix = m @ M2
    mix = jnp.where(lengths[:, None] == 0.0, 0.0, mix)
    # conv: radially-gated messages
    messages = messages * mix
    # scatter-add aggregation at receiver nodes
    agg = jnp.zeros((node_feats.shape[0], messages.shape[1]), messages.dtype).at[receivers].add(messages)
    agg = agg / jnp.sqrt(AVG_NEIGHBORS)
    # linear_down -> activation -> linear_out
    agg = agg @ W_down
    agg = jax.nn.gelu(agg)
    agg = agg @ W_out
    # soft normalization: phi(n) = 1 / (1 + n * sus(n)), n = ||x|| / max_norm
    n = jnp.linalg.norm(agg, axis=1, keepdims=True) / SOFT_NORM
    phi = 1.0 / (1.0 + n * _sus(n))
    agg = agg * phi
    return 0.9 * self_connection + 0.45 * agg

if __name__ == "__main__":
    import jax
    _d = setup_inputs()
    print(jax.jit(kernel)(*tuple(_d.values())))

</pallas_src>

<mosaic_0001>
#map = affine_map<(d0, d1) -> (0, 0)>
#map1 = affine_map<(d0, d1) -> (0)>
module attributes {stable_mosaic.version = 14 : i64} {
  func.func @_sc_body(%arg0: i32, %arg1: i32, %arg2: memref<10000x128xf32, #tpu.memory_space<hbm>>, %arg3: memref<320000x128xf32, #tpu.memory_space<hbm>>, %arg4: memref<320000xi32, #tpu.memory_space<hbm>>, %arg5: memref<320000xi32, #tpu.memory_space<hbm>>, %arg6: memref<10000x128xf32, #tpu.memory_space<hbm>>, %arg7: memref<20000x128xf32, #tpu.memory_space<hbm>>, %arg8: memref<10000xi32, #tpu.memory_space<vmem>>, %arg9: memref<10000xi32, #tpu.memory_space<vmem>>, %arg10: memref<2x40x128xf32, #tpu.memory_space<vmem>>, %arg11: memref<2x40x128xf32, #tpu.memory_space<vmem>>, %arg12: memref<40x128xf32, #tpu.memory_space<vmem>>, %arg13: memref<10000x128xf32, #tpu.memory_space<vmem_shared>>, %arg14: memref<!tpu.dma_semaphore, #tpu.memory_space<semaphore_mem>>, %arg15: memref<!tpu.dma_semaphore, #tpu.memory_space<semaphore_mem>>, %arg16: memref<!tpu.dma_semaphore, #tpu.memory_space<semaphore_mem>>, %arg17: memref<!tpu.dma_semaphore, #tpu.memory_space<semaphore_mem>>) attributes {dimension_semantics = [#tpu.dimension_semantics<core_parallel>, #tpu.dimension_semantics<subcore_parallel>], iteration_bounds = array<i64: 2, 16>, scalar_prefetch = 0 : i64, scratch_operands = 10 : i64, tpu.core_type = #tpu.core_type<sc_vector_subcore>, window_params = [{transform_indices = #map}, {transform_indices = #map}, {transform_indices = #map1}, {transform_indices = #map1}, {transform_indices = #map}, {transform_indices = #map}]} {
    %mul3A = arith.constant 16 : i32
    %mul3A_0 = arith.muli %arg0, %mul3A : i32
    %add3A = arith.addi %mul3A_0, %arg1 : i32
    %eq3A = arith.constant 0 : i32
    %eq3A_1 = arith.cmpi eq, %arg1, %eq3A : i32
    %convert_element_type3A = arith.extui %eq3A_1 : i1 to i32
    %cond3A = arith.constant 0 : i32
    %cond3A_2 = arith.cmpi ne, %convert_element_type3A, %cond3A : i32
    scf.if %cond3A_2 {
      "tpu.region"() ({
        %run_scoped3A = tpu.sem_alloc : memref<!tpu.dma_semaphore, #tpu.memory_space<semaphore_mem>>
        tpu.enqueue_dma source(%arg6 : memref<10000x128xf32, #tpu.memory_space<hbm>>) target(%arg13 : memref<10000x128xf32, #tpu.memory_space<vmem_shared>>) target_semaphore(%run_scoped3A : memref<!tpu.dma_semaphore, #tpu.memory_space<semaphore_mem>>)
        tpu.wait_dma2 semaphore(%run_scoped3A : memref<!tpu.dma_semaphore, #tpu.memory_space<semaphore_mem>>) src(%arg6 : memref<10000x128xf32, #tpu.memory_space<hbm>>) dst(%arg13 : memref<10000x128xf32, #tpu.memory_space<vmem_shared>>)
        tpu.yield
      }) : () -> ()
    } else {
    }
    %mul3A_3 = arith.constant 10000 : i32
    %mul3A_4 = arith.muli %add3A, %mul3A_3 : i32
    "tpu.region"() ({
      %run_scoped3A = tpu.sem_alloc : memref<!tpu.dma_semaphore, #tpu.memory_space<semaphore_mem>>
      %dma_start3A_66 = tpu.memref_slice %arg4[%mul3A_4] : memref<320000xi32, #tpu.memory_space<hbm>> -> memref<10000xi32, #tpu.memory_space<hbm>>
      %dma_start3A_67 = tpu.memref_slice %arg4[%mul3A_4] : memref<320000xi32, #tpu.memory_space<hbm>> -> memref<10000xi32, #tpu.memory_space<hbm>>
      tpu.enqueue_dma source(%dma_start3A_67 : memref<10000xi32, #tpu.memory_space<hbm>>) target(%arg8 : memref<10000xi32, #tpu.memory_space<vmem>>) target_semaphore(%run_scoped3A : memref<!tpu.dma_semaphore, #tpu.memory_space<semaphore_mem>>)
      %dma_wait3A = tpu.memref_slice %arg4[%mul3A_4] : memref<320000xi32, #tpu.memory_space<hbm>> -> memref<10000xi32, #tpu.memory_space<hbm>>
      %dma_wait3A_68 = tpu.memref_slice %arg4[%mul3A_4] : memref<320000xi32, #tpu.memory_space<hbm>> -> memref<10000xi32, #tpu.memory_space<hbm>>
      tpu.wait_dma2 semaphore(%run_scoped3A : memref<!tpu.dma_semaphore, #tpu.memory_space<semaphore_mem>>) src(%dma_wait3A_68 : memref<10000xi32, #tpu.memory_space<hbm>>) dst(%arg8 : memref<10000xi32, #tpu.memory_space<vmem>>)
      tpu.yield
    }) : () -> ()
    "tpu.region"() ({
      %run_scoped3A = tpu.sem_alloc : memref<!tpu.dma_semaphore, #tpu.memory_space<semaphore_mem>>
      %dma_start3A_66 = tpu.memref_slice %arg5[%mul3A_4] : memref<320000xi32, #tpu.memory_space<hbm>> -> memref<10000xi32, #tpu.memory_space<hbm>>
      %dma_start3A_67 = tpu.memref_slice %arg5[%mul3A_4] : memref<320000xi32, #tpu.memory_space<hbm>> -> memref<10000xi32, #tpu.memory_space<hbm>>
      tpu.enqueue_dma source(%dma_start3A_67 : memref<10000xi32, #tpu.memory_space<hbm>>) target(%arg9 : memref<10000xi32, #tpu.memory_space<vmem>>) target_semaphore(%run_scoped3A : memref<!tpu.dma_semaphore, #tpu.memory_space<semaphore_mem>>)
      %dma_wait3A = tpu.memref_slice %arg5[%mul3A_4] : memref<320000xi32, #tpu.memory_space<hbm>> -> memref<10000xi32, #tpu.memory_space<hbm>>
      %dma_wait3A_68 = tpu.memref_slice %arg5[%mul3A_4] : memref<320000xi32, #tpu.memory_space<hbm>> -> memref<10000xi32, #tpu.memory_space<hbm>>
      tpu.wait_dma2 semaphore(%run_scoped3A : memref<!tpu.dma_semaphore, #tpu.memory_space<semaphore_mem>>) src(%dma_wait3A_68 : memref<10000xi32, #tpu.memory_space<hbm>>) dst(%arg9 : memref<10000xi32, #tpu.memory_space<vmem>>)
      tpu.yield
    }) : () -> ()
    %barrier3A = arith.constant 0 : index
    tpu.barrier barrier_id(%barrier3A)
    %multiple_of3A = arith.constant 0 : i32
    %multiple_of3A_5 = tpu.assume_multiple %multiple_of3A, 8 : i32
    %dma_start3A = arith.constant 0 : i32
    %dma_start3A_6 = arith.constant 0 : i32
    %dma_start3A_7 = arith.constant 0 : i32
    %dma_start3A_8 = tpu.memref_slice %arg10[%dma_start3A, %dma_start3A_6, %dma_start3A_7] : memref<2x40x128xf32, #tpu.memory_space<vmem>> -> memref<1x40x128xf32, #tpu.memory_space<vmem>>
    %dma_start3A_9 = tpu.memref_squeeze %dma_start3A_8 : memref<1x40x128xf32, #tpu.memory_space<vmem>> -> memref<40x128xf32, #tpu.memory_space<vmem>>
    %dma_start3A_10 = tpu.memref_slice %arg8[%multiple_of3A_5] : memref<10000xi32, #tpu.memory_space<vmem>> -> memref<40xi32, #tpu.memory_space<vmem>>
    %dma_start3A_11 = arith.constant 0 : i32
    %dma_start3A_12 = arith.constant 0 : i32
    %dma_start3A_13 = tpu.memref_slice %arg2[%dma_start3A_11, %dma_start3A_12] : memref<10000x128xf32, #tpu.memory_space<hbm>> -> memref<10000x128xf32, #tpu.memory_space<hbm>>
    tpu.enqueue_indirect_dma source(%dma_start3A_13 : memref<10000x128xf32, #tpu.memory_space<hbm>>) target(%dma_start3A_9 : memref<40x128xf32, #tpu.memory_space<vmem>>) offsets(%dma_start3A_10 : memref<40xi32, #tpu.memory_space<vmem>>) semaphore(%arg14 : memref<!tpu.dma_semaphore, #tpu.memory_space<semaphore_mem>>)
    %add3A_14 = arith.constant 0 : i32
    %add3A_15 = arith.addi %mul3A_4, %add3A_14 : i32
    %dma_start3A_16 = arith.constant 0 : i32
    %dma_start3A_17 = arith.constant 0 : i32
    %dma_start3A_18 = arith.constant 0 : i32
    %dma_start3A_19 = tpu.memref_slice %arg11[%dma_start3A_16, %dma_start3A_17, %dma_start3A_18] : memref<2x40x128xf32, #tpu.memory_space<vmem>> -> memref<1x40x128xf32, #tpu.memory_space<vmem>>
    %dma_start3A_20 = tpu.memref_squeeze %dma_start3A_19 : memref<1x40x128xf32, #tpu.memory_space<vmem>> -> memref<40x128xf32, #tpu.memory_space<vmem>>
    %dma_start3A_21 = arith.constant 0 : i32
    %dma_start3A_22 = tpu.memref_slice %arg3[%add3A_15, %dma_start3A_21] : memref<320000x128xf32, #tpu.memory_space<hbm>> -> memref<40x128xf32, #tpu.memory_space<hbm>>
    %dma_start3A_23 = arith.constant 0 : i32
    %dma_start3A_24 = arith.constant 0 : i32
    %dma_start3A_25 = tpu.memref_slice %arg11[%dma_start3A_16, %dma_start3A_23, %dma_start3A_24] : memref<2x40x128xf32, #tpu.memory_space<vmem>> -> memref<1x40x128xf32, #tpu.memory_space<vmem>>
    %dma_start3A_26 = tpu.memref_squeeze %dma_start3A_25 : memref<1x40x128xf32, #tpu.memory_space<vmem>> -> memref<40x128xf32, #tpu.memory_space<vmem>>
    %dma_start3A_27 = arith.constant 0 : i32
    %dma_start3A_28 = tpu.memref_slice %arg3[%add3A_15, %dma_start3A_27] : memref<320000x128xf32, #tpu.memory_space<hbm>> -> memref<40x128xf32, #tpu.memory_space<hbm>>
    tpu.enqueue_dma source(%dma_start3A_28 : memref<40x128xf32, #tpu.memory_space<hbm>>) target(%dma_start3A_26 : memref<40x128xf32, #tpu.memory_space<vmem>>) target_semaphore(%arg16 : memref<!tpu.dma_semaphore, #tpu.memory_space<semaphore_mem>>)
    %multiple_of3A_29 = arith.constant 40 : i32
    %multiple_of3A_30 = tpu.assume_multiple %multiple_of3A_29, 8 : i32
    %dma_start3A_31 = arith.constant 1 : i32
    %dma_start3A_32 = arith.constant 0 : i32
    %dma_start3A_33 = arith.constant 0 : i32
    %dma_start3A_34 = tpu.memref_slice %arg10[%dma_start3A_31, %dma_start3A_32, %dma_start3A_33] : memref<2x40x128xf32, #tpu.memory_space<vmem>> -> memref<1x40x128xf32, #tpu.memory_space<vmem>>
    %dma_start3A_35 = tpu.memref_squeeze %dma_start3A_34 : memref<1x40x128xf32, #tpu.memory_space<vmem>> -> memref<40x128xf32, #tpu.memory_space<vmem>>
    %dma_start3A_36 = tpu.memref_slice %arg8[%multiple_of3A_30] : memref<10000xi32, #tpu.memory_space<vmem>> -> memref<40xi32, #tpu.memory_space<vmem>>
    %dma_start3A_37 = arith.constant 0 : i32
    %dma_start3A_38 = arith.constant 0 : i32
    %dma_start3A_39 = tpu.memref_slice %arg2[%dma_start3A_37, %dma_start3A_38] : memref<10000x128xf32, #tpu.memory_space<hbm>> -> memref<10000x128xf32, #tpu.memory_space<hbm>>
    tpu.enqueue_indirect_dma source(%dma_start3A_39 : memref<10000x128xf32, #tpu.memory_space<hbm>>) target(%dma_start3A_35 : memref<40x128xf32, #tpu.memory_space<vmem>>) offsets(%dma_start3A_36 : memref<40xi32, #tpu.memory_space<vmem>>) semaphore(%arg15 : memref<!tpu.dma_semaphore, #tpu.memory_space<semaphore_mem>>)
    %add3A_40 = arith.constant 40 : i32
    %add3A_41 = arith.addi %mul3A_4, %add3A_40 : i32
    %dma_start3A_42 = arith.constant 1 : i32
    %dma_start3A_43 = arith.constant 0 : i32
    %dma_start3A_44 = arith.constant 0 : i32
    %dma_start3A_45 = tpu.memref_slice %arg11[%dma_start3A_42, %dma_start3A_43, %dma_start3A_44] : memref<2x40x128xf32, #tpu.memory_space<vmem>> -> memref<1x40x128xf32, #tpu.memory_space<vmem>>
    %dma_start3A_46 = tpu.memref_squeeze %dma_start3A_45 : memref<1x40x128xf32, #tpu.memory_space<vmem>> -> memref<40x128xf32, #tpu.memory_space<vmem>>
    %dma_start3A_47 = arith.constant 0 : i32
    %dma_start3A_48 = tpu.memref_slice %arg3[%add3A_41, %dma_start3A_47] : memref<320000x128xf32, #tpu.memory_space<hbm>> -> memref<40x128xf32, #tpu.memory_space<hbm>>
    %dma_start3A_49 = arith.constant 0 : i32
    %dma_start3A_50 = arith.constant 0 : i32
    %dma_start3A_51 = tpu.memref_slice %arg11[%dma_start3A_42, %dma_start3A_49, %dma_start3A_50] : memref<2x40x128xf32, #tpu.memory_space<vmem>> -> memref<1x40x128xf32, #tpu.memory_space<vmem>>
    %dma_start3A_52 = tpu.memref_squeeze %dma_start3A_51 : memref<1x40x128xf32, #tpu.memory_space<vmem>> -> memref<40x128xf32, #tpu.memory_space<vmem>>
    %dma_start3A_53 = arith.constant 0 : i32
    %dma_start3A_54 = tpu.memref_slice %arg3[%add3A_41, %dma_start3A_53] : memref<320000x128xf32, #tpu.memory_space<hbm>> -> memref<40x128xf32, #tpu.memory_space<hbm>>
    tpu.enqueue_dma source(%dma_start3A_54 : memref<40x128xf32, #tpu.memory_space<hbm>>) target(%dma_start3A_52 : memref<40x128xf32, #tpu.memory_space<vmem>>) target_semaphore(%arg17 : memref<!tpu.dma_semaphore, #tpu.memory_space<semaphore_mem>>)
    %scan3A = arith.constant 0 : i32
    %scan3A_55 = arith.constant 0 : i32
    %scan3A_56 = arith.constant 125 : i32
    %scan3A_57 = arith.addi %scan3A_55, %scan3A_56 : i32
    %scan3A_58 = arith.constant 1 : i32
    scf.for %scan3A_66 = %scan3A_55 to %scan3A_57 step %scan3A_58  : i32 {
      %mul3A_67 = arith.constant 2 : i32
      %mul3A_68 = arith.muli %mul3A_67, %scan3A_66 : i32
      %add3A_69 = arith.constant 0 : i32
      %add3A_70 = arith.addi %mul3A_68, %add3A_69 : i32
      %dma_wait3A = arith.constant 0 : i32
      %dma_wait3A_71 = arith.constant 0 : i32
      %dma_wait3A_72 = arith.constant 0 : i32
      %dma_wait3A_73 = tpu.memref_slice %arg10[%dma_wait3A, %dma_wait3A_71, %dma_wait3A_72] : memref<2x40x128xf32, #tpu.memory_space<vmem>> -> memref<1x40x128xf32, #tpu.memory_space<vmem>>
      %dma_wait3A_74 = tpu.memref_squeeze %dma_wait3A_73 : memref<1x40x128xf32, #tpu.memory_space<vmem>> -> memref<40x128xf32, #tpu.memory_space<vmem>>
      %dma_wait3A_75 = arith.constant 0 : i32
      %dma_wait3A_76 = arith.constant 0 : i32
      %dma_wait3A_77 = tpu.memref_slice %arg2[%dma_wait3A_75, %dma_wait3A_76] : memref<10000x128xf32, #tpu.memory_space<hbm>> -> memref<40x128xf32, #tpu.memory_space<hbm>>
      %dma_wait3A_78 = arith.constant 0 : i32
      %dma_wait3A_79 = arith.constant 0 : i32
      %dma_wait3A_80 = tpu.memref_slice %arg10[%dma_wait3A, %dma_wait3A_78, %dma_wait3A_79] : memref<2x40x128xf32, #tpu.memory_space<vmem>> -> memref<1x40x128xf32, #tpu.memory_space<vmem>>
      %dma_wait3A_81 = tpu.memref_squeeze %dma_wait3A_80 : memref<1x40x128xf32, #tpu.memory_space<vmem>> -> memref<40x128xf32, #tpu.memory_space<vmem>>
      %dma_wait3A_82 = arith.constant 0 : i32
      %dma_wait3A_83 = arith.constant 0 : i32
      %dma_wait3A_84 = tpu.memref_slice %arg2[%dma_wait3A_82, %dma_wait3A_83] : memref<10000x128xf32, #tpu.memory_space<hbm>> -> memref<40x128xf32, #tpu.memory_space<hbm>>
      tpu.wait_dma2 semaphore(%arg14 : memref<!tpu.dma_semaphore, #tpu.memory_space<semaphore_mem>>) src(%dma_wait3A_84 : memref<40x128xf32, #tpu.memory_space<hbm>>) dst(%dma_wait3A_81 : memref<40x128xf32, #tpu.memory_space<vmem>>)
      %dma_wait3A_85 = arith.constant 0 : i32
      %dma_wait3A_86 = arith.constant 0 : i32
      %dma_wait3A_87 = arith.constant 0 : i32
      %dma_wait3A_88 = tpu.memref_slice %arg11[%dma_wait3A_85, %dma_wait3A_86, %dma_wait3A_87] : memref<2x40x128xf32, #tpu.memory_space<vmem>> -> memref<1x40x128xf32, #tpu.memory_space<vmem>>
      %dma_wait3A_89 = tpu.memref_squeeze %dma_wait3A_88 : memref<1x40x128xf32, #tpu.memory_space<vmem>> -> memref<40x128xf32, #tpu.memory_space<vmem>>
      %dma_wait3A_90 = arith.constant 0 : i32
      %dma_wait3A_91 = arith.constant 0 : i32
      %dma_wait3A_92 = tpu.memref_slice %arg3[%dma_wait3A_90, %dma_wait3A_91] : memref<320000x128xf32, #tpu.memory_space<hbm>> -> memref<40x128xf32, #tpu.memory_space<hbm>>
      %dma_wait3A_93 = arith.constant 0 : i32
      %dma_wait3A_94 = arith.constant 0 : i32
      %dma_wait3A_95 = tpu.memref_slice %arg11[%dma_wait3A_85, %dma_wait3A_93, %dma_wait3A_94] : memref<2x40x128xf32, #tpu.memory_space<vmem>> -> memref<1x40x128xf32, #tpu.memory_space<vmem>>
      %dma_wait3A_96 = tpu.memref_squeeze %dma_wait3A_95 : memref<1x40x128xf32, #tpu.memory_space<vmem>> -> memref<40x128xf32, #tpu.memory_space<vmem>>
      %dma_wait3A_97 = arith.constant 0 : i32
      %dma_wait3A_98 = arith.constant 0 : i32
      %dma_wait3A_99 = tpu.memref_slice %arg3[%dma_wait3A_97, %dma_wait3A_98] : memref<320000x128xf32, #tpu.memory_space<hbm>> -> memref<40x128xf32, #tpu.memory_space<hbm>>
      tpu.wait_dma2 semaphore(%arg16 : memref<!tpu.dma_semaphore, #tpu.memory_space<semaphore_mem>>) src(%dma_wait3A_99 : memref<40x128xf32, #tpu.memory_space<hbm>>) dst(%dma_wait3A_96 : memref<40x128xf32, #tpu.memory_space<vmem>>)
      %scan3A_100 = arith.constant 0 : i32
      %scan3A_101 = arith.constant 0 : i32
      %scan3A_102 = arith.constant 40 : i32
      %scan3A_103 = arith.addi %scan3A_101, %scan3A_102 : i32
      %scan3A_104 = arith.constant 1 : i32
      scf.for %scan3A_165 = %scan3A_101 to %scan3A_103 step %scan3A_104  : i32 {
        %get3A = arith.constant 0 : i32
        %get3A_166 = arith.index_cast %get3A : i32 to index
        %get3A_167 = arith.index_cast %scan3A_165 : i32 to index
        %get3A_168 = arith.constant 0 : index
        %get3A_169 = tpu.vector_load %arg10[%get3A_166, %get3A_167, %get3A_168] {strides = array<i32>} : memref<2x40x128xf32, #tpu.memory_space<vmem>>, vector<1x1x16xf32>,
        %get3A_170 = vector.shape_cast %get3A_169 : vector<1x1x16xf32> to vector<16xf32>
        %get3A_171 = arith.constant 0 : i32
        %get3A_172 = arith.index_cast %get3A_171 : i32 to index
        %get3A_173 = arith.index_cast %scan3A_165 : i32 to index
        %get3A_174 = arith.constant 0 : index
        %get3A_175 = tpu.vector_load %arg11[%get3A_172, %get3A_173, %get3A_174] {strides = array<i32>} : memref<2x40x128xf32, #tpu.memory_space<vmem>>, vector<1x1x16xf32>,
        %get3A_176 = vector.shape_cast %get3A_175 : vector<1x1x16xf32> to vector<16xf32>
        %mul3A_177 = arith.mulf %get3A_170, %get3A_176 : vector<16xf32>
        %swap3A = arith.index_cast %scan3A_165 : i32 to index
        %swap3A_178 = arith.constant 0 : index
        %swap3A_179 = tpu.vector_load %arg12[%swap3A, %swap3A_178] {strides = array<i32>} : memref<40x128xf32, #tpu.memory_space<vmem>>, vector<1x16xf32>,
        %swap3A_180 = vector.shape_cast %swap3A_179 : vector<1x16xf32> to vector<16xf32>
        %swap3A_181 = vector.shape_cast %mul3A_177 : vector<16xf32> to vector<1x16xf32>
        tpu.vector_store %arg12[%swap3A, %swap3A_178], %swap3A_181 {strides = array<i32>} : memref<40x128xf32, #tpu.memory_space<vmem>>, vector<1x16xf32>,
        %get3A_182 = arith.constant 0 : i32
        %get3A_183 = arith.index_cast %get3A_182 : i32 to index
        %get3A_184 = arith.index_cast %scan3A_165 : i32 to index
        %get3A_185 = arith.constant 16 : index
        %get3A_186 = tpu.vector_load %arg10[%get3A_183, %get3A_184, %get3A_185] {strides = array<i32>} : memref<2x40x128xf32, #tpu.memory_space<vmem>>, vector<1x1x16xf32>,
        %get3A_187 = vector.shape_cast %get3A_186 : vector<1x1x16xf32> to vector<16xf32>
        %get3A_188 = arith.constant 0 : i32
        %get3A_189 = arith.index_cast %get3A_188 : i32 to index
        %get3A_190 = arith.index_cast %scan3A_165 : i32 to index
        %get3A_191 = arith.constant 16 : index
        %get3A_192 = tpu.vector_load %arg11[%get3A_189, %get3A_190, %get3A_191] {strides = array<i32>} : memref<2x40x128xf32, #tpu.memory_space<vmem>>, vector<1x1x16xf32>,
        %get3A_193 = vector.shape_cast %get3A_192 : vector<1x1x16xf32> to vector<16xf32>
        %mul3A_194 = arith.mulf %get3A_187, %get3A_193 : vector<16xf32>
        %swap3A_195 = arith.index_cast %scan3A_165 : i32 to index
        %swap3A_196 = arith.constant 16 : index
        %swap3A_197 = tpu.vector_load %arg12[%swap3A_195, %swap3A_196] {strides = array<i32>} : memref<40x128xf32, #tpu.memory_space<vmem>>, vector<1x16xf32>,
        %swap3A_198 = vector.shape_cast %swap3A_197 : vector<1x16xf32> to vector<16xf32>
        %swap3A_199 = vector.shape_cast %mul3A_194 : vector<16xf32> to vector<1x16xf32>
        tpu.vector_store %arg12[%swap3A_195, %swap3A_196], %swap3A_199 {strides = array<i32>} : memref<40x128xf32, #tpu.memory_space<vmem>>, vector<1x16xf32>,
        %get3A_200 = arith.constant 0 : i32
        %get3A_201 = arith.index_cast %get3A_200 : i32 to index
        %get3A_202 = arith.index_cast %scan3A_165 : i32 to index
        %get3A_203 = arith.constant 32 : index
        %get3A_204 = tpu.vector_load %arg10[%get3A_201, %get3A_202, %get3A_203] {strides = array<i32>} : memref<2x40x128xf32, #tpu.memory_space<vmem>>, vector<1x1x16xf32>,
        %get3A_205 = vector.shape_cast %get3A_204 : vector<1x1x16xf32> to vector<16xf32>
        %get3A_206 = arith.constant 0 : i32
        %get3A_207 = arith.index_cast %get3A_206 : i32 to index
        %get3A_208 = arith.index_cast %scan3A_165 : i32 to index
        %get3A_209 = arith.constant 32 : index
        %get3A_210 = tpu.vector_load %arg11[%get3A_207, %get3A_208, %get3A_209] {strides = array<i32>} : memref<2x40x128xf32, #tpu.memory_space<vmem>>, vector<1x1x16xf32>,
        %get3A_211 = vector.shape_cast %get3A_210 : vector<1x1x16xf32> to vector<16xf32>
        %mul3A_212 = arith.mulf %get3A_205, %get3A_211 : vector<16xf32>
        %swap3A_213 = arith.index_cast %scan3A_165 : i32 to index
        %swap3A_214 = arith.constant 32 : index
        %swap3A_215 = tpu.vector_load %arg12[%swap3A_213, %swap3A_214] {strides = array<i32>} : memref<40x128xf32, #tpu.memory_space<vmem>>, vector<1x16xf32>,
        %swap3A_216 = vector.shape_cast %swap3A_215 : vector<1x16xf32> to vector<16xf32>
        %swap3A_217 = vector.shape_cast %mul3A_212 : vector<16xf32> to vector<1x16xf32>
        tpu.vector_store %arg12[%swap3A_213, %swap3A_214], %swap3A_217 {strides = array<i32>} : memref<40x128xf32, #tpu.memory_space<vmem>>, vector<1x16xf32>,
        %get3A_218 = arith.constant 0 : i32
        %get3A_219 = arith.index_cast %get3A_218 : i32 to index
        %get3A_220 = arith.index_cast %scan3A_165 : i32 to index
        %get3A_221 = arith.constant 48 : index
        %get3A_222 = tpu.vector_load %arg10[%get3A_219, %get3A_220, %get3A_221] {strides = array<i32>} : memref<2x40x128xf32, #tpu.memory_space<vmem>>, vector<1x1x16xf32>,
        %get3A_223 = vector.shape_cast %get3A_222 : vector<1x1x16xf32> to vector<16xf32>
        %get3A_224 = arith.constant 0 : i32
        %get3A_225 = arith.index_cast %get3A_224 : i32 to index
        %get3A_226 = arith.index_cast %scan3A_165 : i32 to index
        %get3A_227 = arith.constant 48 : index
        %get3A_228 = tpu.vector_load %arg11[%get3A_225, %get3A_226, %get3A_227] {strides = array<i32>} : memref<2x40x128xf32, #tpu.memory_space<vmem>>, vector<1x1x16xf32>,
        %get3A_229 = vector.shape_cast %get3A_228 : vector<1x1x16xf32> to vector<16xf32>
        %mul3A_230 = arith.mulf %get3A_223, %get3A_229 : vector<16xf32>
        %swap3A_231 = arith.index_cast %scan3A_165 : i32 to index
        %swap3A_232 = arith.constant 48 : index
        %swap3A_233 = tpu.vector_load %arg12[%swap3A_231, %swap3A_232] {strides = array<i32>} : memref<40x128xf32, #tpu.memory_space<vmem>>, vector<1x16xf32>,
        %swap3A_234 = vector.shape_cast %swap3A_233 : vector<1x16xf32> to vector<16xf32>
        %swap3A_235 = vector.shape_cast %mul3A_230 : vector<16xf32> to vector<1x16xf32>
        tpu.vector_store %arg12[%swap3A_231, %swap3A_232], %swap3A_235 {strides = array<i32>} : memref<40x128xf32, #tpu.memory_space<vmem>>, vector<1x16xf32>,
        %get3A_236 = arith.constant 0 : i32
        %get3A_237 = arith.index_cast %get3A_236 : i32 to index
        %get3A_238 = arith.index_cast %scan3A_165 : i32 to index
        %get3A_239 = arith.constant 64 : index
        %get3A_240 = tpu.vector_load %arg10[%get3A_237, %get3A_238, %get3A_239] {strides = array<i32>} : memref<2x40x128xf32, #tpu.memory_space<vmem>>, vector<1x1x16xf32>,
        %get3A_241 = vector.shape_cast %get3A_240 : vector<1x1x16xf32> to vector<16xf32>
        %get3A_242 = arith.constant 0 : i32
        %get3A_243 = arith.index_cast %get3A_242 : i32 to index
        %get3A_244 = arith.index_cast %scan3A_165 : i32 to index
        %get3A_245 = arith.constant 64 : index
        %get3A_246 = tpu.vector_load %arg11[%get3A_243, %get3A_244, %get3A_245] {strides = array<i32>} : memref<2x40x128xf32, #tpu.memory_space<vmem>>, vector<1x1x16xf32>,
        %get3A_247 = vector.shape_cast %get3A_246 : vector<1x1x16xf32> to vector<16xf32>
        %mul3A_248 = arith.mulf %get3A_241, %get3A_247 : vector<16xf32>
        %swap3A_249 = arith.index_cast %scan3A_165 : i32 to index
        %swap3A_250 = arith.constant 64 : index
        %swap3A_251 = tpu.vector_load %arg12[%swap3A_249, %swap3A_250] {strides = array<i32>} : memref<40x128xf32, #tpu.memory_space<vmem>>, vector<1x16xf32>,
        %swap3A_252 = vector.shape_cast %swap3A_251 : vector<1x16xf32> to vector<16xf32>
        %swap3A_253 = vector.shape_cast %mul3A_248 : vector<16xf32> to vector<1x16xf32>
        tpu.vector_store %arg12[%swap3A_249, %swap3A_250], %swap3A_253 {strides = array<i32>} : memref<40x128xf32, #tpu.memory_space<vmem>>, vector<1x16xf32>,
        %get3A_254 = arith.constant 0 : i32
        %get3A_255 = arith.index_cast %get3A_254 : i32 to index
        %get3A_256 = arith.index_cast %scan3A_165 : i32 to index
        %get3A_257 = arith.constant 80 : index
        %get3A_258 = tpu.vector_load %arg10[%get3A_255, %get3A_256, %get3A_257] {strides = array<i32>} : memref<2x40x128xf32, #tpu.memory_space<vmem>>, vector<1x1x16xf32>,
        %get3A_259 = vector.shape_cast %get3A_258 : vector<1x1x16xf32> to vector<16xf32>
        %get3A_260 = arith.constant 0 : i32
        %get3A_261 = arith.index_cast %get3A_260 : i32 to index
        %get3A_262 = arith.index_cast %scan3A_165 : i32 to index
        %get3A_263 = arith.constant 80 : index
        %get3A_264 = tpu.vector_load %arg11[%get3A_261, %get3A_262, %get3A_263] {strides = array<i32>} : memref<2x40x128xf32, #tpu.memory_space<vmem>>, vector<1x1x16xf32>,
        %get3A_265 = vector.shape_cast %get3A_264 : vector<1x1x16xf32> to vector<16xf32>
        %mul3A_266 = arith.mulf %get3A_259, %get3A_265 : vector<16xf32>
        %swap3A_267 = arith.index_cast %scan3A_165 : i32 to index
        %swap3A_268 = arith.constant 80 : index
        %swap3A_269 = tpu.vector_load %arg12[%swap3A_267, %swap3A_268] {strides = array<i32>} : memref<40x128xf32, #tpu.memory_space<vmem>>, vector<1x16xf32>,
        %swap3A_270 = vector.shape_cast %swap3A_269 : vector<1x16xf32> to vector<16xf32>
        %swap3A_271 = vector.shape_cast %mul3A_266 : vector<16xf32> to vector<1x16xf32>
        tpu.vector_store %arg12[%swap3A_267, %swap3A_268], %swap3A_271 {strides = array<i32>} : memref<40x128xf32, #tpu.memory_space<vmem>>, vector<1x16xf32>,
        %get3A_272 = arith.constant 0 : i32
        %get3A_273 = arith.index_cast %get3A_272 : i32 to index
        %get3A_274 = arith.index_cast %scan3A_165 : i32 to index
        %get3A_275 = arith.constant 96 : index
        %get3A_276 = tpu.vector_load %arg10[%get3A_273, %get3A_274, %get3A_275] {strides = array<i32>} : memref<2x40x128xf32, #tpu.memory_space<vmem>>, vector<1x1x16xf32>,
        %get3A_277 = vector.shape_cast %get3A_276 : vector<1x1x16xf32> to vector<16xf32>
        %get3A_278 = arith.constant 0 : i32
        %get3A_279 = arith.index_cast %get3A_278 : i32 to index
        %get3A_280 = arith.index_cast %scan3A_165 : i32 to index
        %get3A_281 = arith.constant 96 : index
        %get3A_282 = tpu.vector_load %arg11[%get3A_279, %get3A_280, %get3A_281] {strides = array<i32>} : memref<2x40x128xf32, #tpu.memory_space<vmem>>, vector<1x1x16xf32>,
        %get3A_283 = vector.shape_cast %get3A_282 : vector<1x1x16xf32> to vector<16xf32>
        %mul3A_284 = arith.mulf %get3A_277, %get3A_283 : vector<16xf32>
        %swap3A_285 = arith.index_cast %scan3A_165 : i32 to index
        %swap3A_286 = arith.constant 96 : index
        %swap3A_287 = tpu.vector_load %arg12[%swap3A_285, %swap3A_286] {strides = array<i32>} : memref<40x128xf32, #tpu.memory_space<vmem>>, vector<1x16xf32>,
        %swap3A_288 = vector.shape_cast %swap3A_287 : vector<1x16xf32> to vector<16xf32>
        %swap3A_289 = vector.shape_cast %mul3A_284 : vector<16xf32> to vector<1x16xf32>
        tpu.vector_store %arg12[%swap3A_285, %swap3A_286], %swap3A_289 {strides = array<i32>} : memref<40x128xf32, #tpu.memory_space<vmem>>, vector<1x16xf32>,
        %get3A_290 = arith.constant 0 : i32
        %get3A_291 = arith.index_cast %get3A_290 : i32 to index
        %get3A_292 = arith.index_cast %scan3A_165 : i32 to index
        %get3A_293 = arith.constant 112 : index
        %get3A_294 = tpu.vector_load %arg10[%get3A_291, %get3A_292, %get3A_293] {strides = array<i32>} : memref<2x40x128xf32, #tpu.memory_space<vmem>>, vector<1x1x16xf32>,
        %get3A_295 = vector.shape_cast %get3A_294 : vector<1x1x16xf32> to vector<16xf32>
        %get3A_296 = arith.constant 0 : i32
        %get3A_297 = arith.index_cast %get3A_296 : i32 to index
        %get3A_298 = arith.index_cast %scan3A_165 : i32 to index
        %get3A_299 = arith.constant 112 : index
        %get3A_300 = tpu.vector_load %arg11[%get3A_297, %get3A_298, %get3A_299] {strides = array<i32>} : memref<2x40x128xf32, #tpu.memory_space<vmem>>, vector<1x1x16xf32>,
        %get3A_301 = vector.shape_cast %get3A_300 : vector<1x1x16xf32> to vector<16xf32>
        %mul3A_302 = arith.mulf %get3A_295, %get3A_301 : vector<16xf32>
        %swap3A_303 = arith.index_cast %scan3A_165 : i32 to index
        %swap3A_304 = arith.constant 112 : index
        %swap3A_305 = tpu.vector_load %arg12[%swap3A_303, %swap3A_304] {strides = array<i32>} : memref<40x128xf32, #tpu.memory_space<vmem>>, vector<1x16xf32>,
        %swap3A_306 = vector.shape_cast %swap3A_305 : vector<1x16xf32> to vector<16xf32>
        %swap3A_307 = vector.shape_cast %mul3A_302 : vector<16xf32> to vector<1x16xf32>
        tpu.vector_store %arg12[%swap3A_303, %swap3A_304], %swap3A_307 {strides = array<i32>} : memref<40x128xf32, #tpu.memory_space<vmem>>, vector<1x16xf32>,
      }
      %scan3A_105 = arith.constant 40 : i32
      %mul3A_106 = arith.constant 40 : i32
      %mul3A_107 = arith.muli %add3A_70, %mul3A_106 : i32
      %multiple_of3A_108 = tpu.assume_multiple %mul3A_107, 8 : i32
      "tpu.region"() ({
        %run_scoped3A = tpu.sem_alloc : memref<!tpu.dma_semaphore, #tpu.memory_space<semaphore_mem>>
        %dma_start3A_165 = tpu.memref_slice %arg9[%multiple_of3A_108] : memref<10000xi32, #tpu.memory_space<vmem>> -> memref<40xi32, #tpu.memory_space<vmem>>
        %dma_start3A_166 = arith.constant 0 : i32
        %dma_start3A_167 = arith.constant 0 : i32
        %dma_start3A_168 = tpu.memref_slice %arg13[%dma_start3A_166, %dma_start3A_167] : memref<10000x128xf32, #tpu.memory_space<vmem_shared>> -> memref<10000x128xf32, #tpu.memory_space<vmem_shared>>
        tpu.enqueue_indirect_dma source(%arg12 : memref<40x128xf32, #tpu.memory_space<vmem>>) target(%dma_start3A_168 : memref<10000x128xf32, #tpu.memory_space<vmem_shared>>) offsets(%dma_start3A_165 : memref<40xi32, #tpu.memory_space<vmem>>) semaphore(%run_scoped3A : memref<!tpu.dma_semaphore, #tpu.memory_space<semaphore_mem>>) {add = true}
        %dma_wait3A_169 = tpu.memref_slice %arg9[%multiple_of3A_108] : memref<10000xi32, #tpu.memory_space<vmem>> -> memref<40xi32, #tpu.memory_space<vmem>>
        %dma_wait3A_170 = arith.constant 0 : i32
        %dma_wait3A_171 = arith.constant 0 : i32
        %dma_wait3A_172 = tpu.memref_slice %arg13[%dma_wait3A_170, %dma_wait3A_171] : memref<10000x128xf32, #tpu.memory_space<vmem_shared>> -> memref<10000x128xf32, #tpu.memory_space<vmem_shared>>
        tpu.wait_indirect_dma semaphore(%run_scoped3A : memref<!tpu.dma_semaphore, #tpu.memory_space<semaphore_mem>>) src(%arg12 : memref<40x128xf32, #tpu.memory_space<vmem>>) dst(%dma_wait3A_172 : memref<10000x128xf32, #tpu.memory_space<vmem_shared>>)
        tpu.yield
      }) : () -> ()
      %add3A_109 = arith.constant 2 : i32
      %add3A_110 = arith.addi %add3A_70, %add3A_109 : i32
      %lt3A = arith.constant 250 : i32
      %lt3A_111 = arith.cmpi slt, %add3A_110, %lt3A : i32
      %convert_element_type3A_112 = arith.extui %lt3A_111 : i1 to i32
      %cond3A_113 = arith.constant 0 : i32
      %cond3A_114 = arith.cmpi ne, %convert_element_type3A_112, %cond3A_113 : i32
      scf.if %cond3A_114 {
        %add3A_165 = arith.constant 2 : i32
        %add3A_166 = arith.addi %add3A_70, %add3A_165 : i32
        %mul3A_167 = arith.constant 40 : i32
        %mul3A_168 = arith.muli %add3A_166, %mul3A_167 : i32
        %multiple_of3A_169 = tpu.assume_multiple %mul3A_168, 8 : i32
        %dma_start3A_170 = arith.constant 0 : i32
        %dma_start3A_171 = arith.constant 0 : i32
        %dma_start3A_172 = arith.constant 0 : i32
        %dma_start3A_173 = tpu.memref_slice %arg10[%dma_start3A_170, %dma_start3A_171, %dma_start3A_172] : memref<2x40x128xf32, #tpu.memory_space<vmem>> -> memref<1x40x128xf32, #tpu.memory_space<vmem>>
        %dma_start3A_174 = tpu.memref_squeeze %dma_start3A_173 : memref<1x40x128xf32, #tpu.memory_space<vmem>> -> memref<40x128xf32, #tpu.memory_space<vmem>>
        %dma_start3A_175 = tpu.memref_slice %arg8[%multiple_of3A_169] : memref<10000xi32, #tpu.memory_space<vmem>> -> memref<40xi32, #tpu.memory_space<vmem>>
        %dma_start3A_176 = arith.constant 0 : i32
        %dma_start3A_177 = arith.constant 0 : i32
        %dma_start3A_178 = tpu.memref_slice %arg2[%dma_start3A_176, %dma_start3A_177] : memref<10000x128xf32, #tpu.memory_space<hbm>> -> memref<10000x128xf32, #tpu.memory_space<hbm>>
        tpu.enqueue_indirect_dma source(%dma_start3A_178 : memref<10000x128xf32, #tpu.memory_space<hbm>>) target(%dma_start3A_174 : memref<40x128xf32, #tpu.memory_space<vmem>>) offsets(%dma_start3A_175 : memref<40xi32, #tpu.memory_space<vmem>>) semaphore(%arg14 : memref<!tpu.dma_semaphore, #tpu.memory_space<semaphore_mem>>)
        %mul3A_179 = arith.constant 40 : i32
        %mul3A_180 = arith.muli %add3A_166, %mul3A_179 : i32
        %add3A_181 = arith.addi %mul3A_4, %mul3A_180 : i32
        %dma_start3A_182 = arith.constant 0 : i32
        %dma_start3A_183 = arith.constant 0 : i32
        %dma_start3A_184 = arith.constant 0 : i32
        %dma_start3A_185 = tpu.memref_slice %arg11[%dma_start3A_182, %dma_start3A_183, %dma_start3A_184] : memref<2x40x128xf32, #tpu.memory_space<vmem>> -> memref<1x40x128xf32, #tpu.memory_space<vmem>>
        %dma_start3A_186 = tpu.memref_squeeze %dma_start3A_185 : memref<1x40x128xf32, #tpu.memory_space<vmem>> -> memref<40x128xf32, #tpu.memory_space<vmem>>
        %dma_start3A_187 = arith.constant 0 : i32
        %dma_start3A_188 = tpu.memref_slice %arg3[%add3A_181, %dma_start3A_187] : memref<320000x128xf32, #tpu.memory_space<hbm>> -> memref<40x128xf32, #tpu.memory_space<hbm>>
        %dma_start3A_189 = arith.constant 0 : i32
        %dma_start3A_190 = arith.constant 0 : i32
        %dma_start3A_191 = tpu.memref_slice %arg11[%dma_start3A_182, %dma_start3A_189, %dma_start3A_190] : memref<2x40x128xf32, #tpu.memory_space<vmem>> -> memref<1x40x128xf32, #tpu.memory_space<vmem>>
        %dma_start3A_192 = tpu.memref_squeeze %dma_start3A_191 : memref<1x40x128xf32, #tpu.memory_space<vmem>> -> memref<40x128xf32, #tpu.memory_space<vmem>>
        %dma_start3A_193 = arith.constant 0 : i32
        %dma_start3A_194 = tpu.memref_slice %arg3[%add3A_181, %dma_start3A_193] : memref<320000x128xf32, #tpu.memory_space<hbm>> -> memref<40x128xf32, #tpu.memory_space<hbm>>
        tpu.enqueue_dma source(%dma_start3A_194 : memref<40x128xf32, #tpu.memory_space<hbm>>) target(%dma_start3A_192 : memref<40x128xf32, #tpu.memory_space<vmem>>) target_semaphore(%arg16 : memref<!tpu.dma_semaphore, #tpu.memory_space<semaphore_mem>>)
      } else {
      }
      %mul3A_115 = arith.constant 2 : i32
      %mul3A_116 = arith.muli %mul3A_115, %scan3A_66 : i32
      %add3A_117 = arith.constant 1 : i32
      %add3A_118 = arith.addi %mul3A_116, %add3A_117 : i32
      %dma_wait3A_119 = arith.constant 1 : i32
      %dma_wait3A_120 = arith.constant 0 : i32
      %dma_wait3A_121 = arith.constant 0 : i32
      %dma_wait3A_122 = tpu.memref_slice %arg10[%dma_wait3A_119, %dma_wait3A_120, %dma_wait3A_121] : memref<2x40x128xf32, #tpu.memory_space<vmem>> -> memref<1x40x128xf32, #tpu.memory_space<vmem>>
      %dma_wait3A_123 = tpu.memref_squeeze %dma_wait3A_122 : memref<1x40x128xf32, #tpu.memory_space<vmem>> -> memref<40x128xf32, #tpu.memory_space<vmem>>
      %dma_wait3A_124 = arith.constant 0 : i32
      %dma_wait3A_125 = arith.constant 0 : i32
      %dma_wait3A_126 = tpu.memref_slice %arg2[%dma_wait3A_124, %dma_wait3A_125] : memref<10000x128xf32, #tpu.memory_space<hbm>> -> memref<40x128xf32, #tpu.memory_space<hbm>>
      %dma_wait3A_127 = arith.constant 0 : i32
      %dma_wait3A_128 = arith.constant 0 : i32
      %dma_wait3A_129 = tpu.memref_slice %arg10[%dma_wait3A_119, %dma_wait3A_127, %dma_wait3A_128] : memref<2x40x128xf32, #tpu.memory_space<vmem>> -> memref<1x40x128xf32, #tpu.memory_space<vmem>>
      %dma_wait3A_130 = tpu.memref_squeeze %dma_wait3A_129 : memref<1x40x128xf32, #tpu.memory_space<vmem>> -> memref<40x128xf32, #tpu.memory_space<vmem>>
      %dma_wait3A_131 = arith.constant 0 : i32
      %dma_wait3A_132 = arith.constant 0 : i32
      %dma_wait3A_133 = tpu.memref_slice %arg2[%dma_wait3A_131, %dma_wait3A_132] : memref<10000x128xf32, #tpu.memory_space<hbm>> -> memref<40x128xf32, #tpu.memory_space<hbm>>
      tpu.wait_dma2 semaphore(%arg15 : memref<!tpu.dma_semaphore, #tpu.memory_space<semaphore_mem>>) src(%dma_wait3A_133 : memref<40x128xf32, #tpu.memory_space<hbm>>) dst(%dma_wait3A_130 : memref<40x128xf32, #tpu.memory_space<vmem>>)
      %dma_wait3A_134 = arith.constant 1 : i32
      %dma_wait3A_135 = arith.constant 0 : i32
      %dma_wait3A_136 = arith.constant 0 : i32
      %dma_wait3A_137 = tpu.memref_slice %arg11[%dma_wait3A_134, %dma_wait3A_135, %dma_wait3A_136] : memref<2x40x128xf32, #tpu.memory_space<vmem>> -> memref<1x40x128xf32, #tpu.memory_space<vmem>>
      %dma_wait3A_138 = tpu.memref_squeeze %dma_wait3A_137 : memref<1x40x128xf32, #tpu.memory_space<vmem>> -> memref<40x128xf32, #tpu.memory_space<vmem>>
      %dma_wait3A_139 = arith.constant 0 : i32
      %dma_wait3A_140 = arith.constant 0 : i32
      %dma_wait3A_141 = tpu.memref_slice %arg3[%dma_wait3A_139, %dma_wait3A_140] : memref<320000x128xf32, #tpu.memory_space<hbm>> -> memref<40x128xf32, #tpu.memory_space<hbm>>
      %dma_wait3A_142 = arith.constant 0 : i32
      %dma_wait3A_143 = arith.constant 0 : i32
      %dma_wait3A_144 = tpu.memref_slice %arg11[%dma_wait3A_134, %dma_wait3A_142, %dma_wait3A_143] : memref<2x40x128xf32, #tpu.memory_space<vmem>> -> memref<1x40x128xf32, #tpu.memory_space<vmem>>
      %dma_wait3A_145 = tpu.memref_squeeze %dma_wait3A_144 : memref<1x40x128xf32, #tpu.memory_space<vmem>> -> memref<40x128xf32, #tpu.memory_space<vmem>>
      %dma_wait3A_146 = arith.constant 0 : i32
      %dma_wait3A_147 = arith.constant 0 : i32
      %dma_wait3A_148 = tpu.memref_slice %arg3[%dma_wait3A_146, %dma_wait3A_147] : memref<320000x128xf32, #tpu.memory_space<hbm>> -> memref<40x128xf32, #tpu.memory_space<hbm>>
      tpu.wait_dma2 semaphore(%arg17 : memref<!tpu.dma_semaphore, #tpu.memory_space<semaphore_mem>>) src(%dma_wait3A_148 : memref<40x128xf32, #tpu.memory_space<hbm>>) dst(%dma_wait3A_145 : memref<40x128xf32, #tpu.memory_space<vmem>>)
      %scan3A_149 = arith.constant 0 : i32
      %scan3A_150 = arith.constant 0 : i32
      %scan3A_151 = arith.constant 40 : i32
      %scan3A_152 = arith.addi %scan3A_150, %scan3A_151 : i32
      %scan3A_153 = arith.constant 1 : i32
      scf.for %scan3A_165 = %scan3A_150 to %scan3A_152 step %scan3A_153  : i32 {
        %get3A = arith.constant 1 : i32
        %get3A_166 = arith.index_cast %get3A : i32 to index
        %get3A_167 = arith.index_cast %scan3A_165 : i32 to index
        %get3A_168 = arith.constant 0 : index
        %get3A_169 = tpu.vector_load %arg10[%get3A_166, %get3A_167, %get3A_168] {strides = array<i32>} : memref<2x40x128xf32, #tpu.memory_space<vmem>>, vector<1x1x16xf32>,
        %get3A_170 = vector.shape_cast %get3A_169 : vector<1x1x16xf32> to vector<16xf32>
        %get3A_171 = arith.constant 1 : i32
        %get3A_172 = arith.index_cast %get3A_171 : i32 to index
        %get3A_173 = arith.index_cast %scan3A_165 : i32 to index
        %get3A_174 = arith.constant 0 : index
        %get3A_175 = tpu.vector_load %arg11[%get3A_172, %get3A_173, %get3A_174] {strides = array<i32>} : memref<2x40x128xf32, #tpu.memory_space<vmem>>, vector<1x1x16xf32>,
        %get3A_176 = vector.shape_cast %get3A_175 : vector<1x1x16xf32> to vector<16xf32>
        %mul3A_177 = arith.mulf %get3A_170, %get3A_176 : vector<16xf32>
        %swap3A = arith.index_cast %scan3A_165 : i32 to index
        %swap3A_178 = arith.constant 0 : index
        %swap3A_179 = tpu.vector_load %arg12[%swap3A, %swap3A_178] {strides = array<i32>} : memref<40x128xf32, #tpu.memory_space<vmem>>, vector<1x16xf32>,
        %swap3A_180 = vector.shape_cast %swap3A_179 : vector<1x16xf32> to vector<16xf32>
        %swap3A_181 = vector.shape_cast %mul3A_177 : vector<16xf32> to vector<1x16xf32>
        tpu.vector_store %arg12[%swap3A, %swap3A_178], %swap3A_181 {strides = array<i32>} : memref<40x128xf32, #tpu.memory_space<vmem>>, vector<1x16xf32>,
        %get3A_182 = arith.constant 1 : i32
        %get3A_183 = arith.index_cast %get3A_182 : i32 to index
        %get3A_184 = arith.index_cast %scan3A_165 : i32 to index
        %get3A_185 = arith.constant 16 : index
        %get3A_186 = tpu.vector_load %arg10[%get3A_183, %get3A_184, %get3A_185] {strides = array<i32>} : memref<2x40x128xf32, #tpu.memory_space<vmem>>, vector<1x1x16xf32>,
        %get3A_187 = vector.shape_cast %get3A_186 : vector<1x1x16xf32> to vector<16xf32>
        %get3A_188 = arith.constant 1 : i32
        %get3A_189 = arith.index_cast %get3A_188 : i32 to index
        %get3A_190 = arith.index_cast %scan3A_165 : i32 to index
        %get3A_191 = arith.constant 16 : index
        %get3A_192 = tpu.vector_load %arg11[%get3A_189, %get3A_190, %get3A_191] {strides = array<i32>} : memref<2x40x128xf32, #tpu.memory_space<vmem>>, vector<1x1x16xf32>,
        %get3A_193 = vector.shape_cast %get3A_192 : vector<1x1x16xf32> to vector<16xf32>
        %mul3A_194 = arith.mulf %get3A_187, %get3A_193 : vector<16xf32>
        %swap3A_195 = arith.index_cast %scan3A_165 : i32 to index
        %swap3A_196 = arith.constant 16 : index
        %swap3A_197 = tpu.vector_load %arg12[%swap3A_195, %swap3A_196] {strides = array<i32>} : memref<40x128xf32, #tpu.memory_space<vmem>>, vector<1x16xf32>,
        %swap3A_198 = vector.shape_cast %swap3A_197 : vector<1x16xf32> to vector<16xf32>
        %swap3A_199 = vector.shape_cast %mul3A_194 : vector<16xf32> to vector<1x16xf32>
        tpu.vector_store %arg12[%swap3A_195, %swap3A_196], %swap3A_199 {strides = array<i32>} : memref<40x128xf32, #tpu.memory_space<vmem>>, vector<1x16xf32>,
        %get3A_200 = arith.constant 1 : i32
        %get3A_201 = arith.index_cast %get3A_200 : i32 to index
        %get3A_202 = arith.index_cast %scan3A_165 : i32 to index
        %get3A_203 = arith.constant 32 : index
        %get3A_204 = tpu.vector_load %arg10[%get3A_201, %get3A_202, %get3A_203] {strides = array<i32>} : memref<2x40x128xf32, #tpu.memory_space<vmem>>, vector<1x1x16xf32>,
        %get3A_205 = vector.shape_cast %get3A_204 : vector<1x1x16xf32> to vector<16xf32>
        %get3A_206 = arith.constant 1 : i32
        %get3A_207 = arith.index_cast %get3A_206 : i32 to index
        %get3A_208 = arith.index_cast %scan3A_165 : i32 to index
        %get3A_209 = arith.constant 32 : index
        %get3A_210 = tpu.vector_load %arg11[%get3A_207, %get3A_208, %get3A_209] {strides = array<i32>} : memref<2x40x128xf32, #tpu.memory_space<vmem>>, vector<1x1x16xf32>,
        %get3A_211 = vector.shape_cast %get3A_210 : vector<1x1x16xf32> to vector<16xf32>
        %mul3A_212 = arith.mulf %get3A_205, %get3A_211 : vector<16xf32>
        %swap3A_213 = arith.index_cast %scan3A_165 : i32 to index
        %swap3A_214 = arith.constant 32 : index
        %swap3A_215 = tpu.vector_load %arg12[%swap3A_213, %swap3A_214] {strides = array<i32>} : memref<40x128xf32, #tpu.memory_space<vmem>>, vector<1x16xf32>,
        %swap3A_216 = vector.shape_cast %swap3A_215 : vector<1x16xf32> to vector<16xf32>
        %swap3A_217 = vector.shape_cast %mul3A_212 : vector<16xf32> to vector<1x16xf32>
        tpu.vector_store %arg12[%swap3A_213, %swap3A_214], %swap3A_217 {strides = array<i32>} : memref<40x128xf32, #tpu.memory_space<vmem>>, vector<1x16xf32>,
        %get3A_218 = arith.constant 1 : i32
        %get3A_219 = arith.index_cast %get3A_218 : i32 to index
        %get3A_220 = arith.index_cast %scan3A_165 : i32 to index
        %get3A_221 = arith.constant 48 : index
        %get3A_222 = tpu.vector_load %arg10[%get3A_219, %get3A_220, %get3A_221] {strides = array<i32>} : memref<2x40x128xf32, #tpu.memory_space<vmem>>, vector<1x1x16xf32>,
        %get3A_223 = vector.shape_cast %get3A_222 : vector<1x1x16xf32> to vector<16xf32>
        %get3A_224 = arith.constant 1 : i32
        %get3A_225 = arith.index_cast %get3A_224 : i32 to index
        %get3A_226 = arith.index_cast %scan3A_165 : i32 to index
        %get3A_227 = arith.constant 48 : index
        %get3A_228 = tpu.vector_load %arg11[%get3A_225, %get3A_226, %get3A_227] {strides = array<i32>} : memref<2x40x128xf32, #tpu.memory_space<vmem>>, vector<1x1x16xf32>,
        %get3A_229 = vector.shape_cast %get3A_228 : vector<1x1x16xf32> to vector<16xf32>
        %mul3A_230 = arith.mulf %get3A_223, %get3A_229 : vector<16xf32>
        %swap3A_231 = arith.index_cast %scan3A_165 : i32 to index
        %swap3A_232 = arith.constant 48 : index
        %swap3A_233 = tpu.vector_load %arg12[%swap3A_231, %swap3A_232] {strides = array<i32>} : memref<40x128xf32, #tpu.memory_space<vmem>>, vector<1x16xf32>,
        %swap3A_234 = vector.shape_cast %swap3A_233 : vector<1x16xf32> to vector<16xf32>
        %swap3A_235 = vector.shape_cast %mul3A_230 : vector<16xf32> to vector<1x16xf32>
        tpu.vector_store %arg12[%swap3A_231, %swap3A_232], %swap3A_235 {strides = array<i32>} : memref<40x128xf32, #tpu.memory_space<vmem>>, vector<1x16xf32>,
        %get3A_236 = arith.constant 1 : i32
        %get3A_237 = arith.index_cast %get3A_236 : i32 to index
        %get3A_238 = arith.index_cast %scan3A_165 : i32 to index
        %get3A_239 = arith.constant 64 : index
        %get3A_240 = tpu.vector_load %arg10[%get3A_237, %get3A_238, %get3A_239] {strides = array<i32>} : memref<2x40x128xf32, #tpu.memory_space<vmem>>, vector<1x1x16xf32>,
        %get3A_241 = vector.shape_cast %get3A_240 : vector<1x1x16xf32> to vector<16xf32>
        %get3A_242 = arith.constant 1 : i32
        %get3A_243 = arith.index_cast %get3A_242 : i32 to index
        %get3A_244 = arith.index_cast %scan3A_165 : i32 to index
        %get3A_245 = arith.constant 64 : index
        %get3A_246 = tpu.vector_load %arg11[%get3A_243, %get3A_244, %get3A_245] {strides = array<i32>} : memref<2x40x128xf32, #tpu.memory_space<vmem>>, vector<1x1x16xf32>,
        %get3A_247 = vector.shape_cast %get3A_246 : vector<1x1x16xf32> to vector<16xf32>
        %mul3A_248 = arith.mulf %get3A_241, %get3A_247 : vector<16xf32>
        %swap3A_249 = arith.index_cast %scan3A_165 : i32 to index
        %swap3A_250 = arith.constant 64 : index
        %swap3A_251 = tpu.vector_load %arg12[%swap3A_249, %swap3A_250] {strides = array<i32>} : memref<40x128xf32, #tpu.memory_space<vmem>>, vector<1x16xf32>,
        %swap3A_252 = vector.shape_cast %swap3A_251 : vector<1x16xf32> to vector<16xf32>
        %swap3A_253 = vector.shape_cast %mul3A_248 : vector<16xf32> to vector<1x16xf32>
        tpu.vector_store %arg12[%swap3A_249, %swap3A_250], %swap3A_253 {strides = array<i32>} : memref<40x128xf32, #tpu.memory_space<vmem>>, vector<1x16xf32>,
        %get3A_254 = arith.constant 1 : i32
        %get3A_255 = arith.index_cast %get3A_254 : i32 to index
        %get3A_256 = arith.index_cast %scan3A_165 : i32 to index
        %get3A_257 = arith.constant 80 : index
        %get3A_258 = tpu.vector_load %arg10[%get3A_255, %get3A_256, %get3A_257] {strides = array<i32>} : memref<2x40x128xf32, #tpu.memory_space<vmem>>, vector<1x1x16xf32>,
        %get3A_259 = vector.shape_cast %get3A_258 : vector<1x1x16xf32> to vector<16xf32>
        %get3A_260 = arith.constant 1 : i32
        %get3A_261 = arith.index_cast %get3A_260 : i32 to index
        %get3A_262 = arith.index_cast %scan3A_165 : i32 to index
        %get3A_263 = arith.constant 80 : index
        %get3A_264 = tpu.vector_load %arg11[%get3A_261, %get3A_262, %get3A_263] {strides = array<i32>} : memref<2x40x128xf32, #tpu.memory_space<vmem>>, vector<1x1x16xf32>,
        %get3A_265 = vector.shape_cast %get3A_264 : vector<1x1x16xf32> to vector<16xf32>
        %mul3A_266 = arith.mulf %get3A_259, %get3A_265 : vector<16xf32>
        %swap3A_267 = arith.index_cast %scan3A_165 : i32 to index
        %swap3A_268 = arith.constant 80 : index
        %swap3A_269 = tpu.vector_load %arg12[%swap3A_267, %swap3A_268] {strides = array<i32>} : memref<40x128xf32, #tpu.memory_space<vmem>>, vector<1x16xf32>,
        %swap3A_270 = vector.shape_cast %swap3A_269 : vector<1x16xf32> to vector<16xf32>
        %swap3A_271 = vector.shape_cast %mul3A_266 : vector<16xf32> to vector<1x16xf32>
        tpu.vector_store %arg12[%swap3A_267, %swap3A_268], %swap3A_271 {strides = array<i32>} : memref<40x128xf32, #tpu.memory_space<vmem>>, vector<1x16xf32>,
        %get3A_272 = arith.constant 1 : i32
        %get3A_273 = arith.index_cast %get3A_272 : i32 to index
        %get3A_274 = arith.index_cast %scan3A_165 : i32 to index
        %get3A_275 = arith.constant 96 : index
        %get3A_276 = tpu.vector_load %arg10[%get3A_273, %get3A_274, %get3A_275] {strides = array<i32>} : memref<2x40x128xf32, #tpu.memory_space<vmem>>, vector<1x1x16xf32>,
        %get3A_277 = vector.shape_cast %get3A_276 : vector<1x1x16xf32> to vector<16xf32>
        %get3A_278 = arith.constant 1 : i32
        %get3A_279 = arith.index_cast %get3A_278 : i32 to index
        %get3A_280 = arith.index_cast %scan3A_165 : i32 to index
        %get3A_281 = arith.constant 96 : index
        %get3A_282 = tpu.vector_load %arg11[%get3A_279, %get3A_280, %get3A_281] {strides = array<i32>} : memref<2x40x128xf32, #tpu.memory_space<vmem>>, vector<1x1x16xf32>,
        %get3A_283 = vector.shape_cast %get3A_282 : vector<1x1x16xf32> to vector<16xf32>
        %mul3A_284 = arith.mulf %get3A_277, %get3A_283 : vector<16xf32>
        %swap3A_285 = arith.index_cast %scan3A_165 : i32 to index
        %swap3A_286 = arith.constant 96 : index
        %swap3A_287 = tpu.vector_load %arg12[%swap3A_285, %swap3A_286] {strides = array<i32>} : memref<40x128xf32, #tpu.memory_space<vmem>>, vector<1x16xf32>,
        %swap3A_288 = vector.shape_cast %swap3A_287 : vector<1x16xf32> to vector<16xf32>
        %swap3A_289 = vector.shape_cast %mul3A_284 : vector<16xf32> to vector<1x16xf32>
        tpu.vector_store %arg12[%swap3A_285, %swap3A_286], %swap3A_289 {strides = array<i32>} : memref<40x128xf32, #tpu.memory_space<vmem>>, vector<1x16xf32>,
        %get3A_290 = arith.constant 1 : i32
        %get3A_291 = arith.index_cast %get3A_290 : i32 to index
        %get3A_292 = arith.index_cast %scan3A_165 : i32 to index
        %get3A_293 = arith.constant 112 : index
        %get3A_294 = tpu.vector_load %arg10[%get3A_291, %get3A_292, %get3A_293] {strides = array<i32>} : memref<2x40x128xf32, #tpu.memory_space<vmem>>, vector<1x1x16xf32>,
        %get3A_295 = vector.shape_cast %get3A_294 : vector<1x1x16xf32> to vector<16xf32>
        %get3A_296 = arith.constant 1 : i32
        %get3A_297 = arith.index_cast %get3A_296 : i32 to index
        %get3A_298 = arith.index_cast %scan3A_165 : i32 to index
        %get3A_299 = arith.constant 112 : index
        %get3A_300 = tpu.vector_load %arg11[%get3A_297, %get3A_298, %get3A_299] {strides = array<i32>} : memref<2x40x128xf32, #tpu.memory_space<vmem>>, vector<1x1x16xf32>,
        %get3A_301 = vector.shape_cast %get3A_300 : vector<1x1x16xf32> to vector<16xf32>
        %mul3A_302 = arith.mulf %get3A_295, %get3A_301 : vector<16xf32>
        %swap3A_303 = arith.index_cast %scan3A_165 : i32 to index
        %swap3A_304 = arith.constant 112 : index
        %swap3A_305 = tpu.vector_load %arg12[%swap3A_303, %swap3A_304] {strides = array<i32>} : memref<40x128xf32, #tpu.memory_space<vmem>>, vector<1x16xf32>,
        %swap3A_306 = vector.shape_cast %swap3A_305 : vector<1x16xf32> to vector<16xf32>
        %swap3A_307 = vector.shape_cast %mul3A_302 : vector<16xf32> to vector<1x16xf32>
        tpu.vector_store %arg12[%swap3A_303, %swap3A_304], %swap3A_307 {strides = array<i32>} : memref<40x128xf32, #tpu.memory_space<vmem>>, vector<1x16xf32>,
      }
      %scan3A_154 = arith.constant 40 : i32
      %mul3A_155 = arith.constant 40 : i32
      %mul3A_156 = arith.muli %add3A_118, %mul3A_155 : i32
      %multiple_of3A_157 = tpu.assume_multiple %mul3A_156, 8 : i32
      "tpu.region"() ({
        %run_scoped3A = tpu.sem_alloc : memref<!tpu.dma_semaphore, #tpu.memory_space<semaphore_mem>>
        %dma_start3A_165 = tpu.memref_slice %arg9[%multiple_of3A_157] : memref<10000xi32, #tpu.memory_space<vmem>> -> memref<40xi32, #tpu.memory_space<vmem>>
        %dma_start3A_166 = arith.constant 0 : i32
        %dma_start3A_167 = arith.constant 0 : i32
        %dma_start3A_168 = tpu.memref_slice %arg13[%dma_start3A_166, %dma_start3A_167] : memref<10000x128xf32, #tpu.memory_space<vmem_shared>> -> memref<10000x128xf32, #tpu.memory_space<vmem_shared>>
        tpu.enqueue_indirect_dma source(%arg12 : memref<40x128xf32, #tpu.memory_space<vmem>>) target(%dma_start3A_168 : memref<10000x128xf32, #tpu.memory_space<vmem_shared>>) offsets(%dma_start3A_165 : memref<40xi32, #tpu.memory_space<vmem>>) semaphore(%run_scoped3A : memref<!tpu.dma_semaphore, #tpu.memory_space<semaphore_mem>>) {add = true}
        %dma_wait3A_169 = tpu.memref_slice %arg9[%multiple_of3A_157] : memref<10000xi32, #tpu.memory_space<vmem>> -> memref<40xi32, #tpu.memory_space<vmem>>
        %dma_wait3A_170 = arith.constant 0 : i32
        %dma_wait3A_171 = arith.constant 0 : i32
        %dma_wait3A_172 = tpu.memref_slice %arg13[%dma_wait3A_170, %dma_wait3A_171] : memref<10000x128xf32, #tpu.memory_space<vmem_shared>> -> memref<10000x128xf32, #tpu.memory_space<vmem_shared>>
        tpu.wait_indirect_dma semaphore(%run_scoped3A : memref<!tpu.dma_semaphore, #tpu.memory_space<semaphore_mem>>) src(%arg12 : memref<40x128xf32, #tpu.memory_space<vmem>>) dst(%dma_wait3A_172 : memref<10000x128xf32, #tpu.memory_space<vmem_shared>>)
        tpu.yield
      }) : () -> ()
      %add3A_158 = arith.constant 2 : i32
      %add3A_159 = arith.addi %add3A_118, %add3A_158 : i32
      %lt3A_160 = arith.constant 250 : i32
      %lt3A_161 = arith.cmpi slt, %add3A_159, %lt3A_160 : i32
      %convert_element_type3A_162 = arith.extui %lt3A_161 : i1 to i32
      %cond3A_163 = arith.constant 0 : i32
      %cond3A_164 = arith.cmpi ne, %convert_element_type3A_162, %cond3A_163 : i32
      scf.if %cond3A_164 {
        %add3A_165 = arith.constant 2 : i32
        %add3A_166 = arith.addi %add3A_118, %add3A_165 : i32
        %mul3A_167 = arith.constant 40 : i32
        %mul3A_168 = arith.muli %add3A_166, %mul3A_167 : i32
        %multiple_of3A_169 = tpu.assume_multiple %mul3A_168, 8 : i32
        %dma_start3A_170 = arith.constant 1 : i32
        %dma_start3A_171 = arith.constant 0 : i32
        %dma_start3A_172 = arith.constant 0 : i32
        %dma_start3A_173 = tpu.memref_slice %arg10[%dma_start3A_170, %dma_start3A_171, %dma_start3A_172] : memref<2x40x128xf32, #tpu.memory_space<vmem>> -> memref<1x40x128xf32, #tpu.memory_space<vmem>>
        %dma_start3A_174 = tpu.memref_squeeze %dma_start3A_173 : memref<1x40x128xf32, #tpu.memory_space<vmem>> -> memref<40x128xf32, #tpu.memory_space<vmem>>
        %dma_start3A_175 = tpu.memref_slice %arg8[%multiple_of3A_169] : memref<10000xi32, #tpu.memory_space<vmem>> -> memref<40xi32, #tpu.memory_space<vmem>>
        %dma_start3A_176 = arith.constant 0 : i32
        %dma_start3A_177 = arith.constant 0 : i32
        %dma_start3A_178 = tpu.memref_slice %arg2[%dma_start3A_176, %dma_start3A_177] : memref<10000x128xf32, #tpu.memory_space<hbm>> -> memref<10000x128xf32, #tpu.memory_space<hbm>>
        tpu.enqueue_indirect_dma source(%dma_start3A_178 : memref<10000x128xf32, #tpu.memory_space<hbm>>) target(%dma_start3A_174 : memref<40x128xf32, #tpu.memory_space<vmem>>) offsets(%dma_start3A_175 : memref<40xi32, #tpu.memory_space<vmem>>) semaphore(%arg15 : memref<!tpu.dma_semaphore, #tpu.memory_space<semaphore_mem>>)
        %mul3A_179 = arith.constant 40 : i32
        %mul3A_180 = arith.muli %add3A_166, %mul3A_179 : i32
        %add3A_181 = arith.addi %mul3A_4, %mul3A_180 : i32
        %dma_start3A_182 = arith.constant 1 : i32
        %dma_start3A_183 = arith.constant 0 : i32
        %dma_start3A_184 = arith.constant 0 : i32
        %dma_start3A_185 = tpu.memref_slice %arg11[%dma_start3A_182, %dma_start3A_183, %dma_start3A_184] : memref<2x40x128xf32, #tpu.memory_space<vmem>> -> memref<1x40x128xf32, #tpu.memory_space<vmem>>
        %dma_start3A_186 = tpu.memref_squeeze %dma_start3A_185 : memref<1x40x128xf32, #tpu.memory_space<vmem>> -> memref<40x128xf32, #tpu.memory_space<vmem>>
        %dma_start3A_187 = arith.constant 0 : i32
        %dma_start3A_188 = tpu.memref_slice %arg3[%add3A_181, %dma_start3A_187] : memref<320000x128xf32, #tpu.memory_space<hbm>> -> memref<40x128xf32, #tpu.memory_space<hbm>>
        %dma_start3A_189 = arith.constant 0 : i32
        %dma_start3A_190 = arith.constant 0 : i32
        %dma_start3A_191 = tpu.memref_slice %arg11[%dma_start3A_182, %dma_start3A_189, %dma_start3A_190] : memref<2x40x128xf32, #tpu.memory_space<vmem>> -> memref<1x40x128xf32, #tpu.memory_space<vmem>>
        %dma_start3A_192 = tpu.memref_squeeze %dma_start3A_191 : memref<1x40x128xf32, #tpu.memory_space<vmem>> -> memref<40x128xf32, #tpu.memory_space<vmem>>
        %dma_start3A_193 = arith.constant 0 : i32
        %dma_start3A_194 = tpu.memref_slice %arg3[%add3A_181, %dma_start3A_193] : memref<320000x128xf32, #tpu.memory_space<hbm>> -> memref<40x128xf32, #tpu.memory_space<hbm>>
        tpu.enqueue_dma source(%dma_start3A_194 : memref<40x128xf32, #tpu.memory_space<hbm>>) target(%dma_start3A_192 : memref<40x128xf32, #tpu.memory_space<vmem>>) target_semaphore(%arg17 : memref<!tpu.dma_semaphore, #tpu.memory_space<semaphore_mem>>)
      } else {
      }
    }
    %scan3A_59 = arith.constant 125 : i32
    %barrier3A_60 = arith.constant 0 : index
    tpu.barrier barrier_id(%barrier3A_60)
    %eq3A_61 = arith.constant 0 : i32
    %eq3A_62 = arith.cmpi eq, %arg1, %eq3A_61 : i32
    %convert_element_type3A_63 = arith.extui %eq3A_62 : i1 to i32
    %cond3A_64 = arith.constant 0 : i32
    %cond3A_65 = arith.cmpi ne, %convert_element_type3A_63, %cond3A_64 : i32
    scf.if %cond3A_65 {
      %mul3A_66 = arith.constant 10000 : i32
      %mul3A_67 = arith.muli %arg0, %mul3A_66 : i32
      "tpu.region"() ({
        %run_scoped3A = tpu.sem_alloc : memref<!tpu.dma_semaphore, #tpu.memory_space<semaphore_mem>>
        %dma_start3A_68 = arith.constant 0 : i32
        %dma_start3A_69 = tpu.memref_slice %arg7[%mul3A_67, %dma_start3A_68] : memref<20000x128xf32, #tpu.memory_space<hbm>> -> memref<10000x128xf32, #tpu.memory_space<hbm>>
        tpu.enqueue_dma source(%arg13 : memref<10000x128xf32, #tpu.memory_space<vmem_shared>>) target(%dma_start3A_69 : memref<10000x128xf32, #tpu.memory_space<hbm>>) target_semaphore(%run_scoped3A : memref<!tpu.dma_semaphore, #tpu.memory_space<semaphore_mem>>)
        %dma_wait3A = arith.constant 0 : i32
        %dma_wait3A_70 = tpu.memref_slice %arg7[%mul3A_67, %dma_wait3A] : memref<20000x128xf32, #tpu.memory_space<hbm>> -> memref<10000x128xf32, #tpu.memory_space<hbm>>
        tpu.wait_dma2 semaphore(%run_scoped3A : memref<!tpu.dma_semaphore, #tpu.memory_space<semaphore_mem>>) src(%arg13 : memref<10000x128xf32, #tpu.memory_space<vmem_shared>>) dst(%dma_wait3A_70 : memref<10000x128xf32, #tpu.memory_space<hbm>>)
        tpu.yield
      }) : () -> ()
    } else {
    }
    return
  }
}

module attributes {stable_mosaic.version = 14 : i64} {
  func.func @_mix_body(%arg0: i32, %arg1: memref<3x2560xf32, #tpu.memory_space<vmem>>, %arg2: memref<64x8xf32, #tpu.memory_space<vmem>>, %arg3: memref<64x64xf32, #tpu.memory_space<vmem>>, %arg4: memref<64x128xf32, #tpu.memory_space<vmem>>, %arg5: memref<2560x128xf32, #tpu.memory_space<vmem>>) attributes {dimension_semantics = [#tpu.dimension_semantics<arbitrary>], iteration_bounds = array<i64: 125>, scalar_prefetch = 0 : i64, scratch_operands = 0 : i64, tpu.core_type = #tpu.core_type<tc>, window_params = [{transform_indices = @transform_0, window_bounds = array<i64: 3, 2560>}, {pipeline_mode = #tpu.pipeline_mode<synchronous>, transform_indices = @transform_1, window_bounds = array<i64: 64, 8>}, {pipeline_mode = #tpu.pipeline_mode<synchronous>, transform_indices = @transform_2, window_bounds = array<i64: 64, 64>}, {pipeline_mode = #tpu.pipeline_mode<synchronous>, transform_indices = @transform_3, window_bounds = array<i64: 64, 128>}, {transform_indices = @transform_4, window_bounds = array<i64: 2560, 128>}]} {
    %get3A = arith.constant 0 : index
    %get3A_0 = arith.constant 0 : index
    %get3A_1 = vector.load %arg1[%get3A, %get3A_0] : memref<3x2560xf32, #tpu.memory_space<vmem>>, vector<3x2560xf32>
    %slice3A = vector.extract_strided_slice %get3A_1 {offsets = [0, 0], sizes = [1, 2560], strides = [1, 1]} : vector<3x2560xf32> to vector<1x2560xf32>
    %slice3A_2 = vector.extract_strided_slice %get3A_1 {offsets = [1, 0], sizes = [1, 2560], strides = [1, 1]} : vector<3x2560xf32> to vector<1x2560xf32>
    %slice3A_3 = vector.extract_strided_slice %get3A_1 {offsets = [2, 0], sizes = [1, 2560], strides = [1, 1]} : vector<3x2560xf32> to vector<1x2560xf32>
    %mul3A = arith.mulf %slice3A, %slice3A : vector<1x2560xf32>
    %mul3A_4 = arith.mulf %slice3A_2, %slice3A_2 : vector<1x2560xf32>
    %add3A = arith.addf %mul3A, %mul3A_4 : vector<1x2560xf32>
    %mul3A_5 = arith.mulf %slice3A_3, %slice3A_3 : vector<1x2560xf32>
    %add3A_6 = arith.addf %add3A, %mul3A_5 : vector<1x2560xf32>
    %sqrt3A = math.sqrt %add3A_6 : vector<1x2560xf32>
    %eq3A = arith.constant 0.000000e+00 : f32
    %eq3A_7 = vector.broadcast %eq3A : f32 to vector<1x2560xf32>
    %eq3A_8 = arith.cmpf oeq, %sqrt3A, %eq3A_7 : vector<1x2560xf32>
    %jit3A = arith.constant 1.000000e+00 : f32
    %broadcast_in_dim3A = vector.broadcast %jit3A : f32 to vector<1x2560xf32>
    %select_n3A = arith.select %eq3A_8, %broadcast_in_dim3A, %sqrt3A : vector<1x2560xi1>, vector<1x2560xf32>
    %min3A = arith.constant 2.000000e+00 : f32
    %min3A_9 = vector.broadcast %min3A : f32 to vector<1x2560xf32>
    %min3A_10 = arith.minimumf %sqrt3A, %min3A_9 : vector<1x2560xf32>
    %mul3A_11 = arith.constant 1.57079637 : f32
    %mul3A_12 = vector.broadcast %mul3A_11 : f32 to vector<1x2560xf32>
    %mul3A_13 = arith.mulf %mul3A_12, %min3A_10 : vector<1x2560xf32>
    %sub3A = arith.constant 1.57079637 : f32
    %sub3A_14 = vector.broadcast %sub3A : f32 to vector<1x2560xf32>
    %sub3A_15 = arith.subf %mul3A_13, %sub3A_14 : vector<1x2560xf32>
    %mul3A_16 = arith.mulf %sub3A_15, %sub3A_15 : vector<1x2560xf32>
    %mul3A_17 = arith.constant -2.755732E-7 : f32
    %mul3A_18 = vector.broadcast %mul3A_17 : f32 to vector<1x2560xf32>
    %mul3A_19 = arith.mulf %mul3A_16, %mul3A_18 : vector<1x2560xf32>
    %add3A_20 = arith.constant 2.48015876E-5 : f32
    %add3A_21 = vector.broadcast %add3A_20 : f32 to vector<1x2560xf32>
    %add3A_22 = arith.addf %add3A_21, %mul3A_19 : vector<1x2560xf32>
    %mul3A_23 = arith.mulf %mul3A_16, %add3A_22 : vector<1x2560xf32>
    %add3A_24 = arith.constant -0.00138888892 : f32
    %add3A_25 = vector.broadcast %add3A_24 : f32 to vector<1x2560xf32>
    %add3A_26 = arith.addf %add3A_25, %mul3A_23 : vector<1x2560xf32>
    %mul3A_27 = arith.mulf %mul3A_16, %add3A_26 : vector<1x2560xf32>
    %add3A_28 = arith.constant 0.0416666679 : f32
    %add3A_29 = vector.broadcast %add3A_28 : f32 to vector<1x2560xf32>
    %add3A_30 = arith.addf %add3A_29, %mul3A_27 : vector<1x2560xf32>
    %mul3A_31 = arith.mulf %mul3A_16, %add3A_30 : vector<1x2560xf32>
    %add3A_32 = arith.constant -5.000000e-01 : f32
    %add3A_33 = vector.broadcast %add3A_32 : f32 to vector<1x2560xf32>
    %add3A_34 = arith.addf %add3A_33, %mul3A_31 : vector<1x2560xf32>
    %mul3A_35 = arith.mulf %mul3A_16, %add3A_34 : vector<1x2560xf32>
    %add3A_36 = arith.constant 1.000000e+00 : f32
    %add3A_37 = vector.broadcast %add3A_36 : f32 to vector<1x2560xf32>
    %add3A_38 = arith.addf %add3A_37, %mul3A_35 : vector<1x2560xf32>
    %neg3A = arith.constant 0.000000e+00 : f32
    %neg3A_39 = vector.broadcast %neg3A : f32 to vector<1x2560xf32>
    %neg3A_40 = arith.subf %neg3A_39, %sub3A_15 : vector<1x2560xf32>
    %mul3A_41 = arith.constant -2.50521079E-8 : f32
    %mul3A_42 = vector.broadcast %mul3A_41 : f32 to vector<1x2560xf32>
    %mul3A_43 = arith.mulf %mul3A_16, %mul3A_42 : vector<1x2560xf32>
    %add3A_44 = arith.constant 2.75573188E-6 : f32
    %add3A_45 = vector.broadcast %add3A_44 : f32 to vector<1x2560xf32>
    %add3A_46 = arith.addf %add3A_45, %mul3A_43 : vector<1x2560xf32>
    %mul3A_47 = arith.mulf %mul3A_16, %add3A_46 : vector<1x2560xf32>
    %add3A_48 = arith.constant -1.98412701E-4 : f32
    %add3A_49 = vector.broadcast %add3A_48 : f32 to vector<1x2560xf32>
    %add3A_50 = arith.addf %add3A_49, %mul3A_47 : vector<1x2560xf32>
    %mul3A_51 = arith.mulf %mul3A_16, %add3A_50 : vector<1x2560xf32>
    %add3A_52 = arith.constant 0.00833333377 : f32
    %add3A_53 = vector.broadcast %add3A_52 : f32 to vector<1x2560xf32>
    %add3A_54 = arith.addf %add3A_53, %mul3A_51 : vector<1x2560xf32>
    %mul3A_55 = arith.mulf %mul3A_16, %add3A_54 : vector<1x2560xf32>
    %add3A_56 = arith.constant -0.166666672 : f32
    %add3A_57 = vector.broadcast %add3A_56 : f32 to vector<1x2560xf32>
    %add3A_58 = arith.addf %add3A_57, %mul3A_55 : vector<1x2560xf32>
    %mul3A_59 = arith.mulf %mul3A_16, %add3A_58 : vector<1x2560xf32>
    %add3A_60 = arith.constant 1.000000e+00 : f32
    %add3A_61 = vector.broadcast %add3A_60 : f32 to vector<1x2560xf32>
    %add3A_62 = arith.addf %add3A_61, %mul3A_59 : vector<1x2560xf32>
    %mul3A_63 = arith.mulf %neg3A_40, %add3A_62 : vector<1x2560xf32>
    %div3A = arith.constant 2.000000e+00 : f32
    %div3A_64 = vector.broadcast %div3A : f32 to vector<1x2560xf32>
    %div3A_65 = arith.divf %sqrt3A, %div3A_64 : vector<1x2560xf32>
    %jit3A_66 = arith.constant 0.000000e+00 : f32
    %jit3A_67 = arith.constant 1.000000e+00 : f32
    %max3A = vector.broadcast %jit3A_66 : f32 to vector<1x2560xf32>
    %max3A_68 = arith.maximumf %max3A, %div3A_65 : vector<1x2560xf32>
    %min3A_69 = vector.broadcast %jit3A_67 : f32 to vector<1x2560xf32>
    %min3A_70 = arith.minimumf %min3A_69, %max3A_68 : vector<1x2560xf32>
    %integer_pow3A = arith.mulf %min3A_70, %min3A_70 : vector<1x2560xf32>
    %integer_pow3A_71 = arith.mulf %min3A_70, %integer_pow3A : vector<1x2560xf32>
    %mul3A_72 = arith.constant 1.000000e+01 : f32
    %mul3A_73 = vector.broadcast %mul3A_72 : f32 to vector<1x2560xf32>
    %mul3A_74 = arith.mulf %mul3A_73, %integer_pow3A_71 : vector<1x2560xf32>
    %sub3A_75 = arith.constant 1.000000e+00 : f32
    %sub3A_76 = vector.broadcast %sub3A_75 : f32 to vector<1x2560xf32>
    %sub3A_77 = arith.subf %sub3A_76, %mul3A_74 : vector<1x2560xf32>
    %integer_pow3A_78 = arith.mulf %min3A_70, %min3A_70 : vector<1x2560xf32>
    %integer_pow3A_79 = arith.mulf %integer_pow3A_78, %integer_pow3A_78 : vector<1x2560xf32>
    %mul3A_80 = arith.constant 1.500000e+01 : f32
    %mul3A_81 = vector.broadcast %mul3A_80 : f32 to vector<1x2560xf32>
    %mul3A_82 = arith.mulf %mul3A_81, %integer_pow3A_79 : vector<1x2560xf32>
    %add3A_83 = arith.addf %sub3A_77, %mul3A_82 : vector<1x2560xf32>
    %integer_pow3A_84 = arith.mulf %min3A_70, %min3A_70 : vector<1x2560xf32>
    %integer_pow3A_85 = arith.mulf %integer_pow3A_84, %integer_pow3A_84 : vector<1x2560xf32>
    %integer_pow3A_86 = arith.mulf %min3A_70, %integer_pow3A_85 : vector<1x2560xf32>
    %mul3A_87 = arith.constant 6.000000e+00 : f32
    %mul3A_88 = vector.broadcast %mul3A_87 : f32 to vector<1x2560xf32>
    %mul3A_89 = arith.mulf %mul3A_88, %integer_pow3A_86 : vector<1x2560xf32>
    %sub3A_90 = arith.subf %add3A_83, %mul3A_89 : vector<1x2560xf32>
    %sqrt3A_91 = arith.constant 1.000000e+00 : f32
    %sqrt3A_92 = math.sqrt %sqrt3A_91 : f32
    %mul3A_93 = vector.broadcast %sqrt3A_92 : f32 to vector<1x2560xf32>
    %mul3A_94 = arith.mulf %mul3A_93, %sub3A_90 : vector<1x2560xf32>
    %div3A_95 = arith.divf %mul3A_94, %select_n3A : vector<1x2560xf32>
    %mul3A_96 = arith.constant 2.000000e+00 : f32
    %mul3A_97 = vector.broadcast %mul3A_96 : f32 to vector<1x2560xf32>
    %mul3A_98 = arith.mulf %mul3A_97, %mul3A_63 : vector<1x2560xf32>
    %broadcast_in_dim3A_99 = arith.constant 0.000000e+00 : f32
    %broadcast_in_dim3A_100 = vector.broadcast %broadcast_in_dim3A_99 : f32 to vector<1x2560xf32>
    %mul3A_101 = arith.constant 1.000000e+00 : f32
    %mul3A_102 = arith.mulf %sqrt3A_92, %mul3A_101 : f32
    %mul3A_103 = arith.constant 3.14159274 : f32
    %mul3A_104 = arith.mulf %mul3A_102, %mul3A_103 : f32
    %div3A_105 = arith.constant 2.000000e+00 : f32
    %div3A_106 = arith.divf %mul3A_104, %div3A_105 : f32
    %mul3A_107 = arith.mulf %add3A_38, %div3A_95 : vector<1x2560xf32>
    %broadcast_in_dim3A_108 = vector.broadcast %div3A_106 : f32 to vector<1x2560xf32>
    %select_n3A_109 = arith.select %eq3A_8, %broadcast_in_dim3A_108, %mul3A_107 : vector<1x2560xi1>, vector<1x2560xf32>
    %mul3A_110 = arith.mulf %mul3A_98, %add3A_38 : vector<1x2560xf32>
    %sub3A_111 = arith.subf %mul3A_110, %broadcast_in_dim3A_100 : vector<1x2560xf32>
    %mul3A_112 = arith.constant 2.000000e+00 : f32
    %mul3A_113 = arith.mulf %sqrt3A_92, %mul3A_112 : f32
    %mul3A_114 = arith.constant 3.14159274 : f32
    %mul3A_115 = arith.mulf %mul3A_113, %mul3A_114 : f32
    %div3A_116 = arith.constant 2.000000e+00 : f32
    %div3A_117 = arith.divf %mul3A_115, %div3A_116 : f32
    %mul3A_118 = arith.mulf %sub3A_111, %div3A_95 : vector<1x2560xf32>
    %broadcast_in_dim3A_119 = vector.broadcast %div3A_117 : f32 to vector<1x2560xf32>
    %select_n3A_120 = arith.select %eq3A_8, %broadcast_in_dim3A_119, %mul3A_118 : vector<1x2560xi1>, vector<1x2560xf32>
    %mul3A_121 = arith.mulf %mul3A_98, %sub3A_111 : vector<1x2560xf32>
    %sub3A_122 = arith.subf %mul3A_121, %add3A_38 : vector<1x2560xf32>
    %mul3A_123 = arith.constant 3.000000e+00 : f32
    %mul3A_124 = arith.mulf %sqrt3A_92, %mul3A_123 : f32
    %mul3A_125 = arith.constant 3.14159274 : f32
    %mul3A_126 = arith.mulf %mul3A_124, %mul3A_125 : f32
    %div3A_127 = arith.constant 2.000000e+00 : f32
    %div3A_128 = arith.divf %mul3A_126, %div3A_127 : f32
    %mul3A_129 = arith.mulf %sub3A_122, %div3A_95 : vector<1x2560xf32>
    %broadcast_in_dim3A_130 = vector.broadcast %div3A_128 : f32 to vector<1x2560xf32>
    %select_n3A_131 = arith.select %eq3A_8, %broadcast_in_dim3A_130, %mul3A_129 : vector<1x2560xi1>, vector<1x2560xf32>
    %mul3A_132 = arith.mulf %mul3A_98, %sub3A_122 : vector<1x2560xf32>
    %sub3A_133 = arith.subf %mul3A_132, %sub3A_111 : vector<1x2560xf32>
    %mul3A_134 = arith.constant 4.000000e+00 : f32
    %mul3A_135 = arith.mulf %sqrt3A_92, %mul3A_134 : f32
    %mul3A_136 = arith.constant 3.14159274 : f32
    %mul3A_137 = arith.mulf %mul3A_135, %mul3A_136 : f32
    %div3A_138 = arith.constant 2.000000e+00 : f32
    %div3A_139 = arith.divf %mul3A_137, %div3A_138 : f32
    %mul3A_140 = arith.mulf %sub3A_133, %div3A_95 : vector<1x2560xf32>
    %broadcast_in_dim3A_141 = vector.broadcast %div3A_139 : f32 to vector<1x2560xf32>
    %select_n3A_142 = arith.select %eq3A_8, %broadcast_in_dim3A_141, %mul3A_140 : vector<1x2560xi1>, vector<1x2560xf32>
    %mul3A_143 = arith.mulf %mul3A_98, %sub3A_133 : vector<1x2560xf32>
    %sub3A_144 = arith.subf %mul3A_143, %sub3A_122 : vector<1x2560xf32>
    %mul3A_145 = arith.constant 5.000000e+00 : f32
    %mul3A_146 = arith.mulf %sqrt3A_92, %mul3A_145 : f32
    %mul3A_147 = arith.constant 3.14159274 : f32
    %mul3A_148 = arith.mulf %mul3A_146, %mul3A_147 : f32
    %div3A_149 = arith.constant 2.000000e+00 : f32
    %div3A_150 = arith.divf %mul3A_148, %div3A_149 : f32
    %mul3A_151 = arith.mulf %sub3A_144, %div3A_95 : vector<1x2560xf32>
    %broadcast_in_dim3A_152 = vector.broadcast %div3A_150 : f32 to vector<1x2560xf32>
    %select_n3A_153 = arith.select %eq3A_8, %broadcast_in_dim3A_152, %mul3A_151 : vector<1x2560xi1>, vector<1x2560xf32>
    %mul3A_154 = arith.mulf %mul3A_98, %sub3A_144 : vector<1x2560xf32>
    %sub3A_155 = arith.subf %mul3A_154, %sub3A_133 : vector<1x2560xf32>
    %mul3A_156 = arith.constant 6.000000e+00 : f32
    %mul3A_157 = arith.mulf %sqrt3A_92, %mul3A_156 : f32
    %mul3A_158 = arith.constant 3.14159274 : f32
    %mul3A_159 = arith.mulf %mul3A_157, %mul3A_158 : f32
    %div3A_160 = arith.constant 2.000000e+00 : f32
    %div3A_161 = arith.divf %mul3A_159, %div3A_160 : f32
    %mul3A_162 = arith.mulf %sub3A_155, %div3A_95 : vector<1x2560xf32>
    %broadcast_in_dim3A_163 = vector.broadcast %div3A_161 : f32 to vector<1x2560xf32>
    %select_n3A_164 = arith.select %eq3A_8, %broadcast_in_dim3A_163, %mul3A_162 : vector<1x2560xi1>, vector<1x2560xf32>
    %mul3A_165 = arith.mulf %mul3A_98, %sub3A_155 : vector<1x2560xf32>
    %sub3A_166 = arith.subf %mul3A_165, %sub3A_144 : vector<1x2560xf32>
    %mul3A_167 = arith.constant 7.000000e+00 : f32
    %mul3A_168 = arith.mulf %sqrt3A_92, %mul3A_167 : f32
    %mul3A_169 = arith.constant 3.14159274 : f32
    %mul3A_170 = arith.mulf %mul3A_168, %mul3A_169 : f32
    %div3A_171 = arith.constant 2.000000e+00 : f32
    %div3A_172 = arith.divf %mul3A_170, %div3A_171 : f32
    %mul3A_173 = arith.mulf %sub3A_166, %div3A_95 : vector<1x2560xf32>
    %broadcast_in_dim3A_174 = vector.broadcast %div3A_172 : f32 to vector<1x2560xf32>
    %select_n3A_175 = arith.select %eq3A_8, %broadcast_in_dim3A_174, %mul3A_173 : vector<1x2560xi1>, vector<1x2560xf32>
    %mul3A_176 = arith.mulf %mul3A_98, %sub3A_166 : vector<1x2560xf32>
    %sub3A_177 = arith.subf %mul3A_176, %sub3A_155 : vector<1x2560xf32>
    %mul3A_178 = arith.constant 8.000000e+00 : f32
    %mul3A_179 = arith.mulf %sqrt3A_92, %mul3A_178 : f32
    %mul3A_180 = arith.constant 3.14159274 : f32
    %mul3A_181 = arith.mulf %mul3A_179, %mul3A_180 : f32
    %div3A_182 = arith.constant 2.000000e+00 : f32
    %div3A_183 = arith.divf %mul3A_181, %div3A_182 : f32
    %mul3A_184 = arith.mulf %sub3A_177, %div3A_95 : vector<1x2560xf32>
    %broadcast_in_dim3A_185 = vector.broadcast %div3A_183 : f32 to vector<1x2560xf32>
    %select_n3A_186 = arith.select %eq3A_8, %broadcast_in_dim3A_185, %mul3A_184 : vector<1x2560xi1>, vector<1x2560xf32>
    %concatenate3A = tpu.concatenate %select_n3A_109, %select_n3A_120, %select_n3A_131, %select_n3A_142, %select_n3A_153, %select_n3A_164, %select_n3A_175, %select_n3A_186 in 0 : vector<1x2560xf32>, vector<1x2560xf32>, vector<1x2560xf32>, vector<1x2560xf32>, vector<1x2560xf32>, vector<1x2560xf32>, vector<1x2560xf32>, vector<1x2560xf32> -> vector<8x2560xf32>
    %get3A_187 = arith.constant 0 : index
    %get3A_188 = arith.constant 0 : index
    %get3A_189 = vector.load %arg2[%get3A_187, %get3A_188] : memref<64x8xf32, #tpu.memory_space<vmem>>, vector<64x8xf32>
    %dot_general3A = arith.constant dense<0.000000e+00> : vector<64x2560xf32>
    %dot_general3A_190 = tpu.matmul %get3A_189, %concatenate3A, %dot_general3A {dimension_numbers = #tpu.dot_dimension_numbers<[1], [0], [0], [1], [0, 0, 1, 1], [], []>, transpose_lhs_hint = false} : vector<64x8xf32>, vector<8x2560xf32>, vector<64x2560xf32> -> vector<64x2560xf32>
    %integer_pow3A_191 = arith.mulf %dot_general3A_190, %dot_general3A_190 : vector<64x2560xf32>
    %integer_pow3A_192 = arith.mulf %dot_general3A_190, %integer_pow3A_191 : vector<64x2560xf32>
    %mul3A_193 = arith.constant 4.471500e-02 : f32
    %mul3A_194 = vector.broadcast %mul3A_193 : f32 to vector<64x2560xf32>
    %mul3A_195 = arith.mulf %mul3A_194, %integer_pow3A_192 : vector<64x2560xf32>
    %add3A_196 = arith.addf %dot_general3A_190, %mul3A_195 : vector<64x2560xf32>
    %mul3A_197 = arith.constant 0.797884583 : f32
    %mul3A_198 = vector.broadcast %mul3A_197 : f32 to vector<64x2560xf32>
    %mul3A_199 = arith.mulf %mul3A_198, %add3A_196 : vector<64x2560xf32>
    %tanh3A = math.tanh %mul3A_199 : vector<64x2560xf32>
    %add3A_200 = arith.constant 1.000000e+00 : f32
    %add3A_201 = vector.broadcast %add3A_200 : f32 to vector<64x2560xf32>
    %add3A_202 = arith.addf %add3A_201, %tanh3A : vector<64x2560xf32>
    %mul3A_203 = arith.constant 5.000000e-01 : f32
    %mul3A_204 = vector.broadcast %mul3A_203 : f32 to vector<64x2560xf32>
    %mul3A_205 = arith.mulf %mul3A_204, %add3A_202 : vector<64x2560xf32>
    %mul3A_206 = arith.mulf %dot_general3A_190, %mul3A_205 : vector<64x2560xf32>
    %get3A_207 = arith.constant 0 : index
    %get3A_208 = arith.constant 0 : index
    %get3A_209 = vector.load %arg3[%get3A_207, %get3A_208] : memref<64x64xf32, #tpu.memory_space<vmem>>, vector<64x64xf32>
    %dot_general3A_210 = arith.constant dense<0.000000e+00> : vector<64x2560xf32>
    %dot_general3A_211 = tpu.matmul %get3A_209, %mul3A_206, %dot_general3A_210 {dimension_numbers = #tpu.dot_dimension_numbers<[1], [0], [0], [1], [0, 0, 1, 1], [], []>, transpose_lhs_hint = false} : vector<64x64xf32>, vector<64x2560xf32>, vector<64x2560xf32> -> vector<64x2560xf32>
    %integer_pow3A_212 = arith.mulf %dot_general3A_211, %dot_general3A_211 : vector<64x2560xf32>
    %integer_pow3A_213 = arith.mulf %dot_general3A_211, %integer_pow3A_212 : vector<64x2560xf32>
    %mul3A_214 = arith.constant 4.471500e-02 : f32
    %mul3A_215 = vector.broadcast %mul3A_214 : f32 to vector<64x2560xf32>
    %mul3A_216 = arith.mulf %mul3A_215, %integer_pow3A_213 : vector<64x2560xf32>
    %add3A_217 = arith.addf %dot_general3A_211, %mul3A_216 : vector<64x2560xf32>
    %mul3A_218 = arith.constant 0.797884583 : f32
    %mul3A_219 = vector.broadcast %mul3A_218 : f32 to vector<64x2560xf32>
    %mul3A_220 = arith.mulf %mul3A_219, %add3A_217 : vector<64x2560xf32>
    %tanh3A_221 = math.tanh %mul3A_220 : vector<64x2560xf32>
    %add3A_222 = arith.constant 1.000000e+00 : f32
    %add3A_223 = vector.broadcast %add3A_222 : f32 to vector<64x2560xf32>
    %add3A_224 = arith.addf %add3A_223, %tanh3A_221 : vector<64x2560xf32>
    %mul3A_225 = arith.constant 5.000000e-01 : f32
    %mul3A_226 = vector.broadcast %mul3A_225 : f32 to vector<64x2560xf32>
    %mul3A_227 = arith.mulf %mul3A_226, %add3A_224 : vector<64x2560xf32>
    %mul3A_228 = arith.mulf %dot_general3A_211, %mul3A_227 : vector<64x2560xf32>
    %jit3A_229 = arith.constant 0.000000e+00 : f32
    %broadcast_in_dim3A_230 = vector.shape_cast %eq3A_8 : vector<1x2560xi1> to vector<1x2560xi1>
    %broadcast_in_dim3A_231 = vector.broadcast %broadcast_in_dim3A_230 : vector<1x2560xi1> to vector<64x2560xi1>
    %broadcast_in_dim3A_232 = vector.broadcast %jit3A_229 : f32 to vector<64x2560xf32>
    %select_n3A_233 = arith.select %broadcast_in_dim3A_231, %broadcast_in_dim3A_232, %mul3A_228 : vector<64x2560xi1>, vector<64x2560xf32>
    %get3A_234 = arith.constant 0 : index
    %get3A_235 = arith.constant 0 : index
    %get3A_236 = vector.load %arg4[%get3A_234, %get3A_235] : memref<64x128xf32, #tpu.memory_space<vmem>>, vector<64x128xf32>
    %dot_general3A_237 = arith.constant dense<0.000000e+00> : vector<2560x128xf32>
    %dot_general3A_238 = tpu.matmul %select_n3A_233, %get3A_236, %dot_general3A_237 {dimension_numbers = #tpu.dot_dimension_numbers<[0], [0], [1], [1], [0, 1, 1, 1], [], []>, transpose_lhs_hint = false} : vector<64x2560xf32>, vector<64x128xf32>, vector<2560x128xf32> -> vector<2560x128xf32>
    %swap3A = arith.constant 0 : index
    %swap3A_239 = arith.constant 0 : index
    %swap3A_240 = vector.load %arg5[%swap3A, %swap3A_239] : memref<2560x128xf32, #tpu.memory_space<vmem>>, vector<2560x128xf32>
    tpu.vector_store %arg5[%swap3A, %swap3A_239], %dot_general3A_238 {strides = array<i32>} : memref<2560x128xf32, #tpu.memory_space<vmem>>, vector<2560x128xf32>,
    return
  }
  func.func @transform_0(%arg0: i32) -> (i32, i32) {
    %c0_i32 = arith.constant 0 : i32
    %c0_i32_0 = arith.constant 0 : i32
    return %c0_i32, %arg0 : i32, i32
  }
  func.func @transform_1(%arg0: i32) -> (i32, i32) {
    %c0_i32 = arith.constant 0 : i32
    %c0_i32_0 = arith.constant 0 : i32
    %c0_i32_1 = arith.constant 0 : i32
    return %c0_i32, %c0_i32_0 : i32, i32
  }
  func.func @transform_2(%arg0: i32) -> (i32, i32) {
    %c0_i32 = arith.constant 0 : i32
    %c0_i32_0 = arith.constant 0 : i32
    %c0_i32_1 = arith.constant 0 : i32
    return %c0_i32, %c0_i32_0 : i32, i32
  }
  func.func @transform_3(%arg0: i32) -> (i32, i32) {
    %c0_i32 = arith.constant 0 : i32
    %c0_i32_0 = arith.constant 0 : i32
    %c0_i32_1 = arith.constant 0 : i32
    return %c0_i32, %c0_i32_0 : i32, i32
  }
  func.func @transform_4(%arg0: i32) -> (i32, i32) {
    %c0_i32 = arith.constant 0 : i32
    %c0_i32_0 = arith.constant 0 : i32
    return %arg0, %c0_i32 : i32, i32
  }
}

module attributes {stable_mosaic.version = 14 : i64} {
  func.func @_node_body(%arg0: i32, %arg1: memref<1000x128xf32, #tpu.memory_space<vmem>>, %arg2: memref<1000x1xi32, #tpu.memory_space<vmem>>, %arg3: memref<5x128x128xf32, #tpu.memory_space<vmem>>, %arg4: memref<128x128xf32, #tpu.memory_space<vmem>>, %arg5: memref<1000x128xf32, #tpu.memory_space<vmem>>, %arg6: memref<1000x128xf32, #tpu.memory_space<vmem>>) attributes {dimension_semantics = [#tpu.dimension_semantics<arbitrary>], iteration_bounds = array<i64: 10>, scalar_prefetch = 0 : i64, scratch_operands = 0 : i64, tpu.core_type = #tpu.core_type<tc>, window_params = [{transform_indices = @transform_0, window_bounds = array<i64: 1000, 128>}, {transform_indices = @transform_1, window_bounds = array<i64: 1000, 1>}, {pipeline_mode = #tpu.pipeline_mode<synchronous>, transform_indices = @transform_2, window_bounds = array<i64: 5, 128, 128>}, {pipeline_mode = #tpu.pipeline_mode<synchronous>, transform_indices = @transform_3, window_bounds = array<i64: 128, 128>}, {transform_indices = @transform_4, window_bounds = array<i64: 1000, 128>}, {transform_indices = @transform_5, window_bounds = array<i64: 1000, 128>}]} {
    %get3A = arith.constant 0 : index
    %get3A_0 = arith.constant 0 : index
    %get3A_1 = vector.load %arg1[%get3A, %get3A_0] : memref<1000x128xf32, #tpu.memory_space<vmem>>, vector<1000x128xf32>
    %get3A_2 = arith.constant 0 : index
    %get3A_3 = arith.constant 0 : index
    %get3A_4 = vector.load %arg4[%get3A_2, %get3A_3] : memref<128x128xf32, #tpu.memory_space<vmem>>, vector<128x128xf32>
    %dot_general3A = arith.constant dense<0.000000e+00> : vector<1000x128xf32>
    %dot_general3A_5 = tpu.matmul %get3A_1, %get3A_4, %dot_general3A {dimension_numbers = #tpu.dot_dimension_numbers<[1], [0], [0], [1], [0, 0, 1, 1], [], []>, transpose_lhs_hint = false} : vector<1000x128xf32>, vector<128x128xf32>, vector<1000x128xf32> -> vector<1000x128xf32>
    %swap3A = arith.constant 0 : index
    %swap3A_6 = arith.constant 0 : index
    %swap3A_7 = vector.load %arg5[%swap3A, %swap3A_6] : memref<1000x128xf32, #tpu.memory_space<vmem>>, vector<1000x128xf32>
    tpu.vector_store %arg5[%swap3A, %swap3A_6], %dot_general3A_5 {strides = array<i32>} : memref<1000x128xf32, #tpu.memory_space<vmem>>, vector<1000x128xf32>,
    %get3A_8 = arith.constant 0 : index
    %get3A_9 = arith.constant 0 : index
    %get3A_10 = vector.load %arg2[%get3A_8, %get3A_9] : memref<1000x1xi32, #tpu.memory_space<vmem>>, vector<1000x1xi32>
    %broadcast_in_dim3A = arith.constant 0.000000e+00 : f32
    %broadcast_in_dim3A_11 = vector.broadcast %broadcast_in_dim3A : f32 to vector<1000x128xf32>
    %eq3A = arith.constant 0 : i32
    %eq3A_12 = vector.broadcast %eq3A : i32 to vector<1000x1xi32>
    %eq3A_13 = arith.cmpi eq, %get3A_10, %eq3A_12 : vector<1000x1xi32>
    %convert_element_type3A = arith.extui %eq3A_13 : vector<1000x1xi1> to vector<1000x1xi32>
    %convert_element_type3A_14 = arith.sitofp %convert_element_type3A : vector<1000x1xi32> to vector<1000x1xf32>
    %mul3A = vector.broadcast %convert_element_type3A_14 : vector<1000x1xf32> to vector<1000x128xf32>
    %mul3A_15 = arith.mulf %get3A_1, %mul3A : vector<1000x128xf32>
    %get3A_16 = arith.constant 0 : index
    %get3A_17 = arith.constant 0 : index
    %get3A_18 = arith.constant 0 : index
    %get3A_19 = vector.load %arg3[%get3A_16, %get3A_17, %get3A_18] : memref<5x128x128xf32, #tpu.memory_space<vmem>>, vector<1x128x128xf32>
    %get3A_20 = vector.shape_cast %get3A_19 : vector<1x128x128xf32> to vector<128x128xf32>
    %dot_general3A_21 = arith.constant dense<0.000000e+00> : vector<1000x128xf32>
    %dot_general3A_22 = tpu.matmul %mul3A_15, %get3A_20, %dot_general3A_21 {dimension_numbers = #tpu.dot_dimension_numbers<[1], [0], [0], [1], [0, 0, 1, 1], [], []>, transpose_lhs_hint = false} : vector<1000x128xf32>, vector<128x128xf32>, vector<1000x128xf32> -> vector<1000x128xf32>
    %add3A = arith.addf %broadcast_in_dim3A_11, %dot_general3A_22 : vector<1000x128xf32>
    %eq3A_23 = arith.constant 1 : i32
    %eq3A_24 = vector.broadcast %eq3A_23 : i32 to vector<1000x1xi32>
    %eq3A_25 = arith.cmpi eq, %get3A_10, %eq3A_24 : vector<1000x1xi32>
    %convert_element_type3A_26 = arith.extui %eq3A_25 : vector<1000x1xi1> to vector<1000x1xi32>
    %convert_element_type3A_27 = arith.sitofp %convert_element_type3A_26 : vector<1000x1xi32> to vector<1000x1xf32>
    %mul3A_28 = vector.broadcast %convert_element_type3A_27 : vector<1000x1xf32> to vector<1000x128xf32>
    %mul3A_29 = arith.mulf %get3A_1, %mul3A_28 : vector<1000x128xf32>
    %get3A_30 = arith.constant 1 : index
    %get3A_31 = arith.constant 0 : index
    %get3A_32 = arith.constant 0 : index
    %get3A_33 = vector.load %arg3[%get3A_30, %get3A_31, %get3A_32] : memref<5x128x128xf32, #tpu.memory_space<vmem>>, vector<1x128x128xf32>
    %get3A_34 = vector.shape_cast %get3A_33 : vector<1x128x128xf32> to vector<128x128xf32>
    %dot_general3A_35 = arith.constant dense<0.000000e+00> : vector<1000x128xf32>
    %dot_general3A_36 = tpu.matmul %mul3A_29, %get3A_34, %dot_general3A_35 {dimension_numbers = #tpu.dot_dimension_numbers<[1], [0], [0], [1], [0, 0, 1, 1], [], []>, transpose_lhs_hint = false} : vector<1000x128xf32>, vector<128x128xf32>, vector<1000x128xf32> -> vector<1000x128xf32>
    %add3A_37 = arith.addf %add3A, %dot_general3A_36 : vector<1000x128xf32>
    %eq3A_38 = arith.constant 2 : i32
    %eq3A_39 = vector.broadcast %eq3A_38 : i32 to vector<1000x1xi32>
    %eq3A_40 = arith.cmpi eq, %get3A_10, %eq3A_39 : vector<1000x1xi32>
    %convert_element_type3A_41 = arith.extui %eq3A_40 : vector<1000x1xi1> to vector<1000x1xi32>
    %convert_element_type3A_42 = arith.sitofp %convert_element_type3A_41 : vector<1000x1xi32> to vector<1000x1xf32>
    %mul3A_43 = vector.broadcast %convert_element_type3A_42 : vector<1000x1xf32> to vector<1000x128xf32>
    %mul3A_44 = arith.mulf %get3A_1, %mul3A_43 : vector<1000x128xf32>
    %get3A_45 = arith.constant 2 : index
    %get3A_46 = arith.constant 0 : index
    %get3A_47 = arith.constant 0 : index
    %get3A_48 = vector.load %arg3[%get3A_45, %get3A_46, %get3A_47] : memref<5x128x128xf32, #tpu.memory_space<vmem>>, vector<1x128x128xf32>
    %get3A_49 = vector.shape_cast %get3A_48 : vector<1x128x128xf32> to vector<128x128xf32>
    %dot_general3A_50 = arith.constant dense<0.000000e+00> : vector<1000x128xf32>
    %dot_general3A_51 = tpu.matmul %mul3A_44, %get3A_49, %dot_general3A_50 {dimension_numbers = #tpu.dot_dimension_numbers<[1], [0], [0], [1], [0, 0, 1, 1], [], []>, transpose_lhs_hint = false} : vector<1000x128xf32>, vector<128x128xf32>, vector<1000x128xf32> -> vector<1000x128xf32>
    %add3A_52 = arith.addf %add3A_37, %dot_general3A_51 : vector<1000x128xf32>
    %eq3A_53 = arith.constant 3 : i32
    %eq3A_54 = vector.broadcast %eq3A_53 : i32 to vector<1000x1xi32>
    %eq3A_55 = arith.cmpi eq, %get3A_10, %eq3A_54 : vector<1000x1xi32>
    %convert_element_type3A_56 = arith.extui %eq3A_55 : vector<1000x1xi1> to vector<1000x1xi32>
    %convert_element_type3A_57 = arith.sitofp %convert_element_type3A_56 : vector<1000x1xi32> to vector<1000x1xf32>
    %mul3A_58 = vector.broadcast %convert_element_type3A_57 : vector<1000x1xf32> to vector<1000x128xf32>
    %mul3A_59 = arith.mulf %get3A_1, %mul3A_58 : vector<1000x128xf32>
    %get3A_60 = arith.constant 3 : index
    %get3A_61 = arith.constant 0 : index
    %get3A_62 = arith.constant 0 : index
    %get3A_63 = vector.load %arg3[%get3A_60, %get3A_61, %get3A_62] : memref<5x128x128xf32, #tpu.memory_space<vmem>>, vector<1x128x128xf32>
    %get3A_64 = vector.shape_cast %get3A_63 : vector<1x128x128xf32> to vector<128x128xf32>
    %dot_general3A_65 = arith.constant dense<0.000000e+00> : vector<1000x128xf32>
    %dot_general3A_66 = tpu.matmul %mul3A_59, %get3A_64, %dot_general3A_65 {dimension_numbers = #tpu.dot_dimension_numbers<[1], [0], [0], [1], [0, 0, 1, 1], [], []>, transpose_lhs_hint = false} : vector<1000x128xf32>, vector<128x128xf32>, vector<1000x128xf32> -> vector<1000x128xf32>
    %add3A_67 = arith.addf %add3A_52, %dot_general3A_66 : vector<1000x128xf32>
    %eq3A_68 = arith.constant 4 : i32
    %eq3A_69 = vector.broadcast %eq3A_68 : i32 to vector<1000x1xi32>
    %eq3A_70 = arith.cmpi eq, %get3A_10, %eq3A_69 : vector<1000x1xi32>
    %convert_element_type3A_71 = arith.extui %eq3A_70 : vector<1000x1xi1> to vector<1000x1xi32>
    %convert_element_type3A_72 = arith.sitofp %convert_element_type3A_71 : vector<1000x1xi32> to vector<1000x1xf32>
    %mul3A_73 = vector.broadcast %convert_element_type3A_72 : vector<1000x1xf32> to vector<1000x128xf32>
    %mul3A_74 = arith.mulf %get3A_1, %mul3A_73 : vector<1000x128xf32>
    %get3A_75 = arith.constant 4 : index
    %get3A_76 = arith.constant 0 : index
    %get3A_77 = arith.constant 0 : index
    %get3A_78 = vector.load %arg3[%get3A_75, %get3A_76, %get3A_77] : memref<5x128x128xf32, #tpu.memory_space<vmem>>, vector<1x128x128xf32>
    %get3A_79 = vector.shape_cast %get3A_78 : vector<1x128x128xf32> to vector<128x128xf32>
    %dot_general3A_80 = arith.constant dense<0.000000e+00> : vector<1000x128xf32>
    %dot_general3A_81 = tpu.matmul %mul3A_74, %get3A_79, %dot_general3A_80 {dimension_numbers = #tpu.dot_dimension_numbers<[1], [0], [0], [1], [0, 0, 1, 1], [], []>, transpose_lhs_hint = false} : vector<1000x128xf32>, vector<128x128xf32>, vector<1000x128xf32> -> vector<1000x128xf32>
    %add3A_82 = arith.addf %add3A_67, %dot_general3A_81 : vector<1000x128xf32>
    %swap3A_83 = arith.constant 0 : index
    %swap3A_84 = arith.constant 0 : index
    %swap3A_85 = vector.load %arg6[%swap3A_83, %swap3A_84] : memref<1000x128xf32, #tpu.memory_space<vmem>>, vector<1000x128xf32>
    tpu.vector_store %arg6[%swap3A_83, %swap3A_84], %add3A_82 {strides = array<i32>} : memref<1000x128xf32, #tpu.memory_space<vmem>>, vector<1000x128xf32>,
    return
  }
  func.func @transform_0(%arg0: i32) -> (i32, i32) {
    %c0_i32 = arith.constant 0 : i32
    %c0_i32_0 = arith.constant 0 : i32
    return %arg0, %c0_i32 : i32, i32
  }
  func.func @transform_1(%arg0: i32) -> (i32, i32) {
    %c0_i32 = arith.constant 0 : i32
    %c0_i32_0 = arith.constant 0 : i32
    return %arg0, %c0_i32 : i32, i32
  }
  func.func @transform_2(%arg0: i32) -> (i32, i32, i32) {
    %c0_i32 = arith.constant 0 : i32
    %c0_i32_0 = arith.constant 0 : i32
    %c0_i32_1 = arith.constant 0 : i32
    %c0_i32_2 = arith.constant 0 : i32
    return %c0_i32, %c0_i32_0, %c0_i32_1 : i32, i32, i32
  }
  func.func @transform_3(%arg0: i32) -> (i32, i32) {
    %c0_i32 = arith.constant 0 : i32
    %c0_i32_0 = arith.constant 0 : i32
    %c0_i32_1 = arith.constant 0 : i32
    return %c0_i32, %c0_i32_0 : i32, i32
  }
  func.func @transform_4(%arg0: i32) -> (i32, i32) {
    %c0_i32 = arith.constant 0 : i32
    %c0_i32_0 = arith.constant 0 : i32
    return %arg0, %c0_i32 : i32, i32
  }
  func.func @transform_5(%arg0: i32) -> (i32, i32) {
    %c0_i32 = arith.constant 0 : i32
    %c0_i32_0 = arith.constant 0 : i32
    return %arg0, %c0_i32 : i32, i32
  }
}

module attributes {stable_mosaic.version = 14 : i64} {
  func.func @_post_body(%arg0: i32, %arg1: memref<2x1000x128xf32, #tpu.memory_space<vmem>>, %arg2: memref<1000x128xf32, #tpu.memory_space<vmem>>, %arg3: memref<128x128xf32, #tpu.memory_space<vmem>>, %arg4: memref<128x128xf32, #tpu.memory_space<vmem>>, %arg5: memref<1000x128xf32, #tpu.memory_space<vmem>>) attributes {dimension_semantics = [#tpu.dimension_semantics<arbitrary>], iteration_bounds = array<i64: 10>, scalar_prefetch = 0 : i64, scratch_operands = 0 : i64, tpu.core_type = #tpu.core_type<tc>, window_params = [{transform_indices = @transform_0, window_bounds = array<i64: 2, 1000, 128>}, {transform_indices = @transform_1, window_bounds = array<i64: 1000, 128>}, {pipeline_mode = #tpu.pipeline_mode<synchronous>, transform_indices = @transform_2, window_bounds = array<i64: 128, 128>}, {pipeline_mode = #tpu.pipeline_mode<synchronous>, transform_indices = @transform_3, window_bounds = array<i64: 128, 128>}, {transform_indices = @transform_4, window_bounds = array<i64: 1000, 128>}]} {
    %get3A = arith.constant 0 : index
    %get3A_0 = arith.constant 0 : index
    %get3A_1 = arith.constant 0 : index
    %get3A_2 = vector.load %arg1[%get3A, %get3A_0, %get3A_1] : memref<2x1000x128xf32, #tpu.memory_space<vmem>>, vector<2x1000x128xf32>
    %slice3A = vector.extract_strided_slice %get3A_2 {offsets = [0, 0, 0], sizes = [1, 1000, 128], strides = [1, 1, 1]} : vector<2x1000x128xf32> to vector<1x1000x128xf32>
    %squeeze3A = vector.shape_cast %slice3A : vector<1x1000x128xf32> to vector<1000x128xf32>
    %slice3A_3 = vector.extract_strided_slice %get3A_2 {offsets = [1, 0, 0], sizes = [1, 1000, 128], strides = [1, 1, 1]} : vector<2x1000x128xf32> to vector<1x1000x128xf32>
    %squeeze3A_4 = vector.shape_cast %slice3A_3 : vector<1x1000x128xf32> to vector<1000x128xf32>
    %add3A = arith.addf %squeeze3A, %squeeze3A_4 : vector<1000x128xf32>
    %sqrt3A = arith.constant 3.200000e+01 : f32
    %sqrt3A_5 = math.sqrt %sqrt3A : f32
    %div3A = arith.constant 1.000000e+00 : f32
    %div3A_6 = arith.divf %div3A, %sqrt3A_5 : f32
    %mul3A = vector.broadcast %div3A_6 : f32 to vector<1000x128xf32>
    %mul3A_7 = arith.mulf %add3A, %mul3A : vector<1000x128xf32>
    %get3A_8 = arith.constant 0 : index
    %get3A_9 = arith.constant 0 : index
    %get3A_10 = vector.load %arg3[%get3A_8, %get3A_9] : memref<128x128xf32, #tpu.memory_space<vmem>>, vector<128x128xf32>
    %dot_general3A = arith.constant dense<0.000000e+00> : vector<1000x128xf32>
    %dot_general3A_11 = tpu.matmul %mul3A_7, %get3A_10, %dot_general3A {dimension_numbers = #tpu.dot_dimension_numbers<[1], [0], [0], [1], [0, 0, 1, 1], [], []>, transpose_lhs_hint = false} : vector<1000x128xf32>, vector<128x128xf32>, vector<1000x128xf32> -> vector<1000x128xf32>
    %integer_pow3A = arith.mulf %dot_general3A_11, %dot_general3A_11 : vector<1000x128xf32>
    %integer_pow3A_12 = arith.mulf %dot_general3A_11, %integer_pow3A : vector<1000x128xf32>
    %mul3A_13 = arith.constant 4.471500e-02 : f32
    %mul3A_14 = vector.broadcast %mul3A_13 : f32 to vector<1000x128xf32>
    %mul3A_15 = arith.mulf %mul3A_14, %integer_pow3A_12 : vector<1000x128xf32>
    %add3A_16 = arith.addf %dot_general3A_11, %mul3A_15 : vector<1000x128xf32>
    %mul3A_17 = arith.constant 0.797884583 : f32
    %mul3A_18 = vector.broadcast %mul3A_17 : f32 to vector<1000x128xf32>
    %mul3A_19 = arith.mulf %mul3A_18, %add3A_16 : vector<1000x128xf32>
    %tanh3A = math.tanh %mul3A_19 : vector<1000x128xf32>
    %add3A_20 = arith.constant 1.000000e+00 : f32
    %add3A_21 = vector.broadcast %add3A_20 : f32 to vector<1000x128xf32>
    %add3A_22 = arith.addf %add3A_21, %tanh3A : vector<1000x128xf32>
    %mul3A_23 = arith.constant 5.000000e-01 : f32
    %mul3A_24 = vector.broadcast %mul3A_23 : f32 to vector<1000x128xf32>
    %mul3A_25 = arith.mulf %mul3A_24, %add3A_22 : vector<1000x128xf32>
    %mul3A_26 = arith.mulf %dot_general3A_11, %mul3A_25 : vector<1000x128xf32>
    %get3A_27 = arith.constant 0 : index
    %get3A_28 = arith.constant 0 : index
    %get3A_29 = vector.load %arg4[%get3A_27, %get3A_28] : memref<128x128xf32, #tpu.memory_space<vmem>>, vector<128x128xf32>
    %dot_general3A_30 = arith.constant dense<0.000000e+00> : vector<1000x128xf32>
    %dot_general3A_31 = tpu.matmul %mul3A_26, %get3A_29, %dot_general3A_30 {dimension_numbers = #tpu.dot_dimension_numbers<[1], [0], [0], [1], [0, 0, 1, 1], [], []>, transpose_lhs_hint = false} : vector<1000x128xf32>, vector<128x128xf32>, vector<1000x128xf32> -> vector<1000x128xf32>
    %mul3A_32 = arith.mulf %dot_general3A_31, %dot_general3A_31 : vector<1000x128xf32>
    %reduce_sum3A = arith.constant dense<0.000000e+00> : vector<1000xf32>
    %reduce_sum3A_33 = vector.multi_reduction <add>, %mul3A_32, %reduce_sum3A [1] : vector<1000x128xf32> to vector<1000xf32>
    %broadcast_in_dim3A = vector.shape_cast %reduce_sum3A_33 : vector<1000xf32> to vector<1000x1xf32>
    %sqrt3A_34 = math.sqrt %broadcast_in_dim3A : vector<1000x1xf32>
    %div3A_35 = arith.constant 1.000000e+05 : f32
    %div3A_36 = vector.broadcast %div3A_35 : f32 to vector<1000x1xf32>
    %div3A_37 = arith.divf %sqrt3A_34, %div3A_36 : vector<1000x1xf32>
    %gt3A = arith.constant 0.000000e+00 : f32
    %gt3A_38 = vector.broadcast %gt3A : f32 to vector<1000x1xf32>
    %gt3A_39 = arith.cmpf ogt, %div3A_37, %gt3A_38 : vector<1000x1xf32>
    %jit3A = arith.constant 1.000000e+00 : f32
    %broadcast_in_dim3A_40 = vector.broadcast %jit3A : f32 to vector<1000x1xf32>
    %select_n3A = arith.select %gt3A_39, %div3A_37, %broadcast_in_dim3A_40 : vector<1000x1xi1>, vector<1000x1xf32>
    %gt3A_41 = arith.constant 0.000000e+00 : f32
    %gt3A_42 = vector.broadcast %gt3A_41 : f32 to vector<1000x1xf32>
    %gt3A_43 = arith.cmpf ogt, %div3A_37, %gt3A_42 : vector<1000x1xf32>
    %div3A_44 = arith.constant -1.000000e+00 : f32
    %div3A_45 = vector.broadcast %div3A_44 : f32 to vector<1000x1xf32>
    %div3A_46 = arith.divf %div3A_45, %select_n3A : vector<1000x1xf32>
    %exp3A = math.exp %div3A_46 : vector<1000x1xf32>
    %jit3A_47 = arith.constant 0.000000e+00 : f32
    %broadcast_in_dim3A_48 = vector.broadcast %jit3A_47 : f32 to vector<1000x1xf32>
    %select_n3A_49 = arith.select %gt3A_43, %exp3A, %broadcast_in_dim3A_48 : vector<1000x1xi1>, vector<1000x1xf32>
    %mul3A_50 = arith.mulf %div3A_37, %select_n3A_49 : vector<1000x1xf32>
    %add3A_51 = arith.constant 1.000000e+00 : f32
    %add3A_52 = vector.broadcast %add3A_51 : f32 to vector<1000x1xf32>
    %add3A_53 = arith.addf %add3A_52, %mul3A_50 : vector<1000x1xf32>
    %div3A_54 = arith.constant 1.000000e+00 : f32
    %div3A_55 = vector.broadcast %div3A_54 : f32 to vector<1000x1xf32>
    %div3A_56 = arith.divf %div3A_55, %add3A_53 : vector<1000x1xf32>
    %get3A_57 = arith.constant 0 : index
    %get3A_58 = arith.constant 0 : index
    %get3A_59 = vector.load %arg2[%get3A_57, %get3A_58] : memref<1000x128xf32, #tpu.memory_space<vmem>>, vector<1000x128xf32>
    %mul3A_60 = arith.constant 0.899999976 : f32
    %mul3A_61 = vector.broadcast %mul3A_60 : f32 to vector<1000x128xf32>
    %mul3A_62 = arith.mulf %mul3A_61, %get3A_59 : vector<1000x128xf32>
    %mul3A_63 = vector.broadcast %div3A_56 : vector<1000x1xf32> to vector<1000x128xf32>
    %mul3A_64 = arith.mulf %dot_general3A_31, %mul3A_63 : vector<1000x128xf32>
    %mul3A_65 = arith.constant 4.500000e-01 : f32
    %mul3A_66 = vector.broadcast %mul3A_65 : f32 to vector<1000x128xf32>
    %mul3A_67 = arith.mulf %mul3A_66, %mul3A_64 : vector<1000x128xf32>
    %add3A_68 = arith.addf %mul3A_62, %mul3A_67 : vector<1000x128xf32>
    %swap3A = arith.constant 0 : index
    %swap3A_69 = arith.constant 0 : index
    %swap3A_70 = vector.load %arg5[%swap3A, %swap3A_69] : memref<1000x128xf32, #tpu.memory_space<vmem>>, vector<1000x128xf32>
    tpu.vector_store %arg5[%swap3A, %swap3A_69], %add3A_68 {strides = array<i32>} : memref<1000x128xf32, #tpu.memory_space<vmem>>, vector<1000x128xf32>,
    return
  }
  func.func @transform_0(%arg0: i32) -> (i32, i32, i32) {
    %c0_i32 = arith.constant 0 : i32
    %c0_i32_0 = arith.constant 0 : i32
    %c0_i32_1 = arith.constant 0 : i32
    return %c0_i32, %arg0, %c0_i32_0 : i32, i32, i32
  }
  func.func @transform_1(%arg0: i32) -> (i32, i32) {
    %c0_i32 = arith.constant 0 : i32
    %c0_i32_0 = arith.constant 0 : i32
    return %arg0, %c0_i32 : i32, i32
  }
  func.func @transform_2(%arg0: i32) -> (i32, i32) {
    %c0_i32 = arith.constant 0 : i32
    %c0_i32_0 = arith.constant 0 : i32
    %c0_i32_1 = arith.constant 0 : i32
    return %c0_i32, %c0_i32_0 : i32, i32
  }
  func.func @transform_3(%arg0: i32) -> (i32, i32) {
    %c0_i32 = arith.constant 0 : i32
    %c0_i32_0 = arith.constant 0 : i32
    %c0_i32_1 = arith.constant 0 : i32
    return %c0_i32, %c0_i32_0 : i32, i32
  }
  func.func @transform_4(%arg0: i32) -> (i32, i32) {
    %c0_i32 = arith.constant 0 : i32
    %c0_i32_0 = arith.constant 0 : i32
    return %arg0, %c0_i32 : i32, i32
  }
}

</mosaic_0001>

<sc_bundles>
// kernel: kernel.6.cloned.1.call-start
scs
__scs_entry_jumppad:
0x0: {  	(pc) =	sbr.rel $0x88, $3  }
0x1: {  	(tag) =	ssettag $0x0;
	lr =	simm.s32 $0x1  }
0x2: {  	[smem:$0x3F95] =	sst lr;
	_ =	strace $0xD0000000  }
0x3: {  	_ = 	snop  }
0x4: {  	_ = 	snop  }
0x5: {  	_ = 	snop  }
0x6: {  	_ = 	snop  }
0x7: {  	_ = 	snop  }
__scs_overlays_trampoline_lowered:
0x8: {  	[smem:$0x3FA4] =	sst s0  }
0x9: {  	[smem:$0x3FA5] =	sst s1  }
0xa: {  	[smem:$0x3FA6] =	sst s2  }
0xb: {  	[smem:$0x3FA7] =	sst s3  }
0xc: {  	[smem:$0x3FA8] =	sst s4  }
0xd: {  	[smem:$0x3FA9] =	sst s5  }
0xe: {  	[smem:$0x3FAA] =	sst s6  }
0xf: {  	[smem:$0x3FAB] =	sst s7  }
0x10: {  	[smem:$0x3FAC] =	sst s8  }
0x11: {  	[smem:$0x3FAD] =	sst s9;
	s0 =	simm.s32 @!p0 $0x0  }
0x12: {  	s1 =	sld [smem:$0x3F93];
	s0 =	simm.s32 @p0 $0x1  }
0x13: {  	[smem:$0x3FAE] =	sst s0;
	s0 =	simm.s32 @!p1 $0x0  }
0x14: {  	s2 =	sld [smem:$0x3F92];
	s0 =	simm.s32 @p1 $0x1  }
0x15: {  	[smem:$0x3FAF] =	sst s0;
	s0 =	simm.s32 @!p2 $0x0  }
0x16: {  	s3 =	sld [smem:$0x3FDB];
	s0 =	simm.s32 @p2 $0x1  }
0x17: {  	s4 =	simm.s32 $0x1BF5;
	[smem:$0x3FB1] =	sst s0  }
0x18: {  	s0 =	sld [smem:$0x3F94];
	_ =	swait.ge [sflag:s4], $0x0  }
0x19: {  	s7 =	sld [smem:$0x3F95]  }
0x1a: {  	s8 =	sadd.s32 $0xFFFFE003, lr  }
0x1b: {  	s9 =	sadd.s32 $0xFFFFFEF7, lr;
	s5 =	simm.s32 $0xFFFFFFFF;
	p2 =	slt.u32 s8, $0xFFFFF086  }
0x1c: {  	p1 =	slt.u32 s9, $0xF7A;
	s5 =	simm.s32 @!p2 $0x0  }
0x1d: {  	s5 =	simm.s32 @p1 $0x1;
	p0 =	seq.s32 s7, s2  }
0x1e: {  	s7 =	smul.u32 @!p0 $0xF7A, s2;
	p2 =	seq.s32 @!p0 s5, $0x0  }
0x1f: {  	s9 =	smul.u32 $0xF7A, s1;
	s8 =	simm.s32 @!p0 $0x1BF5;
	p2 =	por !p2, p0  }
0x20: {  	[sflag:s8] =	ssyncset.s32 @!p0 $0xFFFFF086;
	s6 =	sadd.s32 @!p0 s3, s7;
	s7 =	simm.s32 @!p0 $0x108  }
0x21: {  	s3 =	sadd.s32 s3, s9;
	s6 =	sadd.s32 @!p0 $0x88, s6;
	s7 =	simm.s32 @p2 $0x1082  }
0x22: {  	[simem:s7], [sflag:s8] =	dma.local @!p0 [hbm:s6], $0xF7A  }
0x23: {  	s9 =	sor.u32 $0xD0000000, s2;
	s6 =	simm.s32 $0x108;
	_ =	swait.ge @!p0 [sflag:s8], $0x0  }
0x24: {  	s3 =	sadd.s32 $0x88, s3;
	s6 =	simm.s32 @!p1 $0x1082;
	[sflag:s4] =	ssyncset.s32 $0xFFFFF086  }
0x25: {  	[simem:s6], [sflag:s4] =	dma.local [hbm:s3], $0xF7A  }
0x26: {  	[smem:$0x3F95] =	sst s1;
	(tag) =	ssettag s2;
	_ =	strace s9  }
0x27: {  	s1 =	sld [smem:$0x3FA5]  }
0x28: {  	s2 =	sld [smem:$0x3FA6]  }
0x29: {  	s4 =	sld [smem:$0x3FA8]  }
0x2a: {  	p0 =	seq.s32 s5, $0x0;
	s5 =	sld [smem:$0x3FA9]  }
0x2b: {  	s6 =	sld [smem:$0x3FAA]  }
0x2c: {  	s7 =	sld [smem:$0x3FAB]  }
0x2d: {  	s3 =	simm.s32 $0x108;
	s8 =	sld [smem:$0x3FAC]  }
0x2e: {  	s3 =	simm.s32 @!p0 $0x1082;
	s9 =	sld [smem:$0x3FAD]  }
0x2f: {  	lr =	sadd.s32 s0, s3;
	s0 =	sld [smem:$0x3FA4]  }
0x30: {  	s3 =	sld [smem:$0x3FA7]  }
0x31: {  	[smem:$0x3FB0] =	sst s10  }
0x32: {  	s10 =	sld [smem:$0x3FAE];
	_ =	sdelay $0x3  }
0x33: {  	p0 =	seq.s32 s10, $0x1;
	s10 =	sld [smem:$0x3FB0];
	_ =	sdelay $0x3  }
0x34: {  	[smem:$0x3FB0] =	sst s10  }
0x35: {  	s10 =	sld [smem:$0x3FAF];
	_ =	sdelay $0x3  }
0x36: {  	p1 =	seq.s32 s10, $0x1;
	s10 =	sld [smem:$0x3FB0];
	_ =	sdelay $0x3  }
0x37: {  	[smem:$0x3FB0] =	sst s10  }
0x38: {  	s10 =	sld [smem:$0x3FB1]  }
0x39: {  	_ = 	snop;
	(pc) =	sbr.ind lr, $3  }
0x3a: {  	_ = 	snop  }
0x3b: {  	_ = 	snop  }
0x3c: {  	p2 =	seq.s32 s10, $0x1;
	s10 =	sld [smem:$0x3FB0]  }
0x3d: {  	_ =	shalt  }
0x3e: {  	_ =	shalt  }
0x3f: {  	_ =	shalt  }
0x40: {  	_ =	shalt  }
0x41: {  	_ =	shalt  }
0x42: {  	_ =	shalt  }
0x43: {  	_ =	shalt  }
0x44: {  	_ =	shalt  }
0x45: {  	_ =	shalt  }
0x46: {  	_ =	shalt  }
0x47: {  	_ =	shalt  }
0x48: {  	_ =	shalt  }
0x49: {  	_ =	shalt  }
0x4a: {  	_ =	shalt  }
0x4b: {  	_ =	shalt  }
0x4c: {  	_ =	shalt  }
0x4d: {  	_ =	shalt  }
0x4e: {  	_ =	shalt  }
0x4f: {  	_ =	shalt  }
0x50: {  	_ =	shalt  }
0x51: {  	_ =	shalt  }
0x52: {  	_ =	shalt  }
0x53: {  	_ =	shalt  }
0x54: {  	_ =	shalt  }
0x55: {  	_ =	shalt  }
0x56: {  	_ =	shalt  }
0x57: {  	_ =	shalt  }
0x58: {  	_ =	shalt  }
0x59: {  	_ =	shalt  }
0x5a: {  	_ =	shalt  }
0x5b: {  	_ =	shalt  }
0x5c: {  	_ =	shalt  }
0x5d: {  	_ =	shalt  }
0x5e: {  	_ =	shalt  }
0x5f: {  	_ =	shalt  }
0x60: {  	_ =	shalt  }
0x61: {  	_ =	shalt  }
0x62: {  	_ =	shalt  }
0x63: {  	_ =	shalt  }
0x64: {  	_ =	shalt  }
0x65: {  	_ =	shalt  }
0x66: {  	_ =	shalt  }
0x67: {  	_ =	shalt  }
0x68: {  	_ =	shalt  }
0x69: {  	_ =	shalt  }
0x6a: {  	_ =	shalt  }
0x6b: {  	_ =	shalt  }
0x6c: {  	_ =	shalt  }
0x6d: {  	_ =	shalt  }
0x6e: {  	_ =	shalt  }
0x6f: {  	_ =	shalt  }
0x70: {  	_ =	shalt  }
0x71: {  	_ =	shalt  }
0x72: {  	_ =	shalt  }
0x73: {  	_ =	shalt  }
0x74: {  	_ =	shalt  }
0x75: {  	_ =	shalt  }
0x76: {  	_ =	shalt  }
0x77: {  	_ =	shalt  }
0x78: {  	_ =	shalt  }
0x79: {  	_ =	shalt  }
0x7a: {  	_ =	shalt  }
0x7b: {  	_ =	shalt  }
0x7c: {  	_ =	shalt  }
0x7d: {  	_ =	shalt  }
0x7e: {  	_ =	shalt  }
0x7f: {  	_ =	shalt  }
0x80: {  	_ =	shalt  }
0x81: {  	_ =	shalt  }
0x82: {  	_ =	shalt  }
0x83: {  	_ =	shalt  }
0x84: {  	_ =	shalt  }
0x85: {  	_ =	shalt  }
0x86: {  	_ =	shalt  }
0x87: {  	_ =	shalt  }
.Lfunc_end0:
.L_simem_size_0:
called_computation_lowered:
.L_overlay_start_0:
0x88: {  	s2 =	sld [smem:$0x3FD9]  }
0x89: {  	s3 =	sld [smem:$0x3FFE];
	_ =	sdelay $0x1  }
0x8a: {  	s1 =	srdreg.scid  }
0x8b: {  	s0 =	sand.u32 $0x1, s1  }
0x8c: {  	s17 =	sshll.u32 s0, $0xA;
	s2 =	sadd.s32 s3, s2  }
0x8d: {  	s2 =	sadd.s32 s2, s17  }
0x8e: {  	[smem:$0x3FBC] =	sst s2  }
0x8f: {  	_ = 	snop  }
0x90: {  	s2 =	sld [smem:$0x3FC6]  }
0x91: {  	s18 =	sld [smem:$0x3FC5]  }
0x92: {  	s4 =	sld [smem:$0x3FD0];
	(tm) =	ssettm $0x1  }
0x93: {  	s5 =	sld [smem:$0x3FFB];
	_ =	sdelay $0x3  }
0x94: {  	_ =	strace s5  }
0x95: {  	s5 =	sld [smem:$0x3FFC];
	_ =	sdelay $0x3  }
0x96: {  	_ =	strace s5  }
0x97: {  	s5 =	sld [smem:$0x3FFD];
	_ =	sdelay $0x3  }
0x98: {  	_ =	strace s5  }
0x99: {  	_ =	strace $0x8FFFFFFF  }
0x9a: {  	s19 =	sld [smem:$0x3FDB];
	_ =	sdelay $0x1  }
0x9b: {  	s6 =	simm.s32 $_scs_section_size  }
0x9c: {  	s7 =	simm.s32 $_size__tile_overlayer_lowered;
	s8 =	simm.s32 $_tile_overlayer_lowered  }
0x9d: {  	s22 =	simm.s32 $0x1BFF;
	s21 =	sshll.u32 s8, $0x1;
	s5 =	sadd.s32 s6, s19  }
0x9e: {  	s9 =	simm.s32 $0x0;
	s20 =	sshll.u32 s7, $0x1;
	s7 =	sadd.s32 s21, s5  }
0x9f: {  	[timem:s9], [sflag:s22] =	dma.local [hbm:s7], s20  }
0xa0: {  	_ =	swait.ge [sflag:s22], s20  }
0xa1: {  	s6 =	ssub.s32 $0x0, s20;
	[sflag:s22] =	ssyncset.done $0x0  }
0xa2: {  	[sflag:s22] =	ssyncadd.s32 s6;
	_ =	sdelay $0x1  }
0xa3: {  	s23 =	simm.s32 $0x1B8B  }
0xa4: {  	_ =	swait.ge [sflag:s23], $0x1  }
0xa5: {  	[sflag:s23] =	ssyncset.done $0x0  }
0xa6: {  	s25 =	simm.s32 $0x1B8E;
	s24 =	sld [smem:$0x3FFE];
	[sflag:s23] =	ssyncadd.s32 $0xFFFFFFFF  }
0xa7: {  	s26 =	simm.s32 $execute0_lowered;
	[smem:$0x3FD2] =	sst s25  }
0xa8: {  	s7 =	sshll.u32 s26, $0x1;
	_ =	strace $0x80000046;
	[dreg:$0x1] =	wrdreg $0xFFFFFFFF  }
0xa9: {  	s28 =	simm.s32 $_size_execute0_lowered;
	s5 =	sadd.s32 s5, s7;
	[dreg:$0x0] =	wrdreg $0x0  }
0xaa: {  	s7 =	sshll.u32 s28, $0x1;
	[dreg:$0x2] =	wrdreg s5  }
0xab: {  	[dreg:$0x3] =	wrdreg s7  }
0xac: {  	[dreg:$0x4] =	wrdreg $0xC0  }
0xad: {  	_ =	task [dreg:s9], $0x5FFFF  }
0xae: {  	[dreg:$0x1] =	wrdreg $0xFFFFFFFF  }
0xaf: {  	[dreg:$0x0] =	wrdreg $0x60  }
0xb0: {  	[dreg:$0x2] =	wrdreg s4  }
0xb1: {  	[dreg:$0x3] =	wrdreg s24  }
0xb2: {  	[dreg:$0x4] =	wrdreg s2  }
0xb3: {  	[dreg:$0x5] =	wrdreg s18  }
0xb4: {  	[dreg:$0x6] =	wrdreg $0xB3000  }
0xb5: {  	[dreg:$0x7] =	wrdreg $0x9  }
0xb6: {  	_ =	task.clear_ibuf [dreg:s9], $0x8FFFF;
	_ =	strace $0x90000046  }
0xb7: {  	s29 =	simm.s32 $0x9;
	_ =	strace $0x80000048  }
0xb8: {  	_ =	swait.ge [sflag:s29], $0x1  }
0xb9: {  	[sflag:s29] =	ssyncadd.s32 $0xFFFFFFFF  }
0xba: {  	_ =	strace $0x90000048  }
0xbb: {  	_ =	sfence  }
0xbc: {  	s30 =	sld [smem:$0x0];
	_ =	sdelay $0x2  }
0xbd: {  	s31 =	sshll.u32 s1, $0xD;
	s1 =	sshrl.u32 s1, $0x2  }
0xbe: {  	s3 =	sand.u32 $0x4000, s31;
	s1 =	sadd.s32 s1, s30  }
0xbf: {  	s0 =	sor.u32 s3, s0;
	s1 =	sshll.u32 s1, $0x11  }
0xc0: {  	s0 =	sor.u32 s1, s0  }
0xc1: {  	s0 =	sadd.s32 $0x8F2B, s0  }
0xc2: {  	[sflag:s0] =	ssyncadd.remote.s32 $0x1  }
0xc3: {  	_ =	sfence.sel $0xFFFF  }
0xc4: {  	[dreg:$0x0] =	wrdreg $0xFFFFFFFF;
	(pc) =	sbr.abs _section_cstart, $3  }
0xc5: {  	[dreg:$0x1] =	wrdreg $0xFFFFFFFF  }
0xc6: {  	_ =	task.clear_ibuf [dreg:s9], $0x2FFFF;
	_ =	strace $0x9FFFFFFF  }
0xc7: {  	(tm) =	ssettm $0x7FFFFFFF  }
tec
execute0_lowered:
.L_overlay_start_1:
0x0: {  	(tag) =	ssettag $0x1  }
0x1: {  	s0 =	rddreg [dreg:$0x0]  }
0x2: {  	s1 =	rddreg [dreg:$0x1]  }
0x3: {  	s7 =	rddreg [dreg:$0x2]  }
0x4: {  	s8 =	rddreg [dreg:$0x3]  }
0x5: {  	s2 =	rddreg [dreg:$0x4];
	s4 =	srdreg.scid  }
0x6: {  	s3 =	simm.s32 $0x0;
	s12 =	stileid.u32;
	s15 =	simm.s32 $0x2780  }
0x7: {  	s16 =	simm.s32 $0x28;
	s17 =	simm.s32 $0x4F00;
	s18 =	simm.s32 $0x7700  }
0x8: {  	s19 =	simm.s32 $0x6300;
	s20 =	simm.s32 $0x8B00;
	s21 =	simm.s32 $0x1  }
0x9: {  	s22 =	simm.s32 $0x3;
	s23 =	simm.s32 $0x9F00;
	s9 =	sand.u32 $0x1, s4  }
0xa: {  	s24 =	simm.s32 $0x2;
	s25 =	simm.s32 $0x4;
	s4 =	sshll.u32 s9, $0x4  }
0xb: {  	s26 =	simm.s32 $0x0;
	s10 =	smul.u32 $0x27100, s9;
	s11 =	sor.u32 s12, s4  }
0xc: {  	[smem:$0x7FF] =	sst s3;
	s5 =	sadd.s32 $0x50B400, s1;
	s6 =	smul.u32 $0x2710, s11  }
0xd: {  	p0 =	sne.s32 s12, $0x0;
	s9 =	ssub.s32 $0x2, s9;
	s31 =	smul.u32 $0x138800, s11  }
0xe: {  	_ =	strace $0x80000047;
	s13 =	sshrl.u32 s9, $0x1;
	s11 =	smul.u32 $0x27100, s11  }
.Ltmp0:
0xf: {  	s4 =	sadd.s32 $0x29400, s1;
	s13 =	ssub.s32 s9, s13;
	(pc) =	sbr.rel .LBB2_1-.Ltmp0, $4  }
0x10: {  	s1 =	sadd.s32 s10, s1;
	s12 =	smax.u32 s13, $0x1;
	s13 =	sshrl.u32 @!p0 s2, $0x3  }
0x11: {  	s14 =	sshrl.u32 s6, $0x3;
	s10 =	sshrl.u32 s31, $0x3;
	s9 =	sadd.s32 s4, s11  }
0x12: {  	s11 =	sadd.s32 $0x532600, s1;
	s7 =	sadd.s32 s7, s14;
	s10 =	sadd.s32 s4, s10  }
0x13: {  	s8 =	sadd.s32 s8, s14;
	s14 =	simm.s32 $0x5;
	s10 =	sadd.s32 $0x280, s10  }
.LBB2_8:
0x14: {  	[bflag:$0x0] =	sbarrier.arrive $0xFFFF;
	s1 =	simm.s32 @!p0 $0x1C05;
	s26 =	sadd.s32 $0x1, s26  }
0x15: {  	[hbm:s11], [sflag:s1] =	dma.local @!p0 [spmem:s13], $0x27100  }
0x16: {  	p1 =	sne.s32 s26, s12  }
.Ltmp1:
0x17: {  	_ = 	snop;
	(pc) =	sbr.rel @!p1 .LBB2_9-.Ltmp1, $4  }
0x18: {  	s1 =	simm.s32 @!p0 $0x5  }
0x19: {  	_ =	swait.ge @!p0 [sflag:s1], $0x27100  }
0x1a: {  	[sflag:s1] =	ssyncset.done @!p0 $0x0  }
0x1b: {  	[sflag:s1] =	ssyncadd.s32 @!p0 $0xFFFD8F00  }
.LBB2_1:
0x1c: {  	s1 =	simm.s32 @!p0 $0x1C05  }
0x1d: {  	[spmem:s13], [sflag:s1] =	dma.local @!p0 [hbm:s5], $0x27100  }
0x1e: {  	s1 =	simm.s32 @!p0 $0x5  }
0x1f: {  	_ =	swait.ge @!p0 [sflag:s1], $0x27100  }
0x20: {  	[sflag:s1] =	ssyncset.done @!p0 $0x0  }
0x21: {  	[sflag:s1] =	ssyncadd.s32 @!p0 $0xFFFD8F00  }
0x22: {  	[tilespmem:s3], [sflag:$0x5] =	stream.linear.gather [hbm4b:s7+s3], $0x2710, $0x38;
	[tilespmem:$0x1EB80] =	vst v63  }
0x23: {  	_ =	swait.ge [sflag:s14], $0x2710  }
0x24: {  	[sflag:s14] =	ssyncset.done $0x0  }
0x25: {  	[sflag:s14] =	ssyncadd.s32 $0xFFFFD8F0  }
0x26: {  	[tilespmem:s15], [sflag:$0x5] =	stream.linear.gather [hbm4b:s8+s3], $0x2710, $0x38;
	[tilespmem:$0x1EB80] =	vst v63  }
0x27: {  	_ =	swait.ge [sflag:s14], $0x2710  }
0x28: {  	[sflag:s14] =	ssyncset.done $0x0  }
0x29: {  	[sflag:s14] =	ssyncadd.s32 $0xFFFFD8F0  }
0x2a: {  	[bflag:$0x0] =	sbarrier.arrive $0xFFFF  }
0x2b: {  	[tilespmem:s17], [sflag:$0x1] =	stream.indirect.gather [hbm4b:s0+s16], $0x80, s3, s16, $0xb8;
	[tilespmem:$0x1EB80] =	vst v63  }
0x2c: {  	_ = 	snop  }
0x2d: {  	[tilespmem:s18], [sflag:$0x3] =	stream.linear.gather [hbm4b:s9+s3], $0x1400, $0x38;
	[tilespmem:$0x1EB80] =	vst v63  }
0x2e: {  	_ = 	snop  }
0x2f: {  	[tilespmem:s19], [sflag:$0x2] =	stream.indirect.gather [hbm4b:s0+s16], $0x80, s16, s16, $0xb8;
	[tilespmem:$0x1EB80] =	vst v63  }
0x30: {  	s28 =	simm.s32 $0x0  }
0x31: {  	[tilespmem:s20], [sflag:$0x4] =	stream.linear.gather [hbm4b:s10+s3], $0x1400, $0x38;
	[tilespmem:$0x1EB80] =	vst v63  }
.LBB2_2:
0x32: {  	_ =	swait.ge [sflag:s21], $0x1400  }
0x33: {  	[sflag:s21] =	ssyncset.done $0x0  }
0x34: {  	[sflag:s21] =	ssyncadd.s32 $0xFFFFEC00  }
0x35: {  	_ =	swait.ge [sflag:s22], $0x1400  }
0x36: {  	[sflag:s22] =	ssyncset.done $0x0  }
0x37: {  	s29 =	simm.s32 $0x0;
	[sflag:s22] =	ssyncadd.s32 $0xFFFFEC00  }
0x38: {  	v0 =	vld [tilespmem:s29+$0x4F70]  }
0x39: {  	v1 =	vld [tilespmem:s29+$0x7770]  }
0x3a: {  	v2 =	vld [tilespmem:s29+$0x4F00]  }
0x3b: {  	v3 =	vld [tilespmem:s29+$0x7700]  }
0x3c: {  	v4 =	vld [tilespmem:s29+$0x4F10]  }
0x3d: {  	v5 =	vld [tilespmem:s29+$0x7710]  }
0x3e: {  	v6 =	vld [tilespmem:s29+$0x4F20]  }
0x3f: {  	v7 =	vld [tilespmem:s29+$0x4F30]  }
0x40: {  	v0 =	vmul.f32 v1, v0;
	v1 =	vld [tilespmem:s29+$0x7720]  }
0x41: {  	v8 =	vld [tilespmem:s29+$0x7730]  }
0x42: {  	v9 =	vld [tilespmem:s29+$0x7740];
	v2 =	vmul.f32 v3, v2  }
0x43: {  	[tilespmem:s29+$0x9F70] =	vst v0;
	v0 =	vmul.f32 v5, v4;
	v5 =	vld [tilespmem:s29+$0x4F40]  }
0x44: {  	v3 =	vld [tilespmem:s29+$0x7750];
	[tilespmem:s29+$0x9F00] =	vst v2  }
0x45: {  	v2 =	vld [tilespmem:s29+$0x4F50];
	[tilespmem:s29+$0x9F10] =	vst v0;
	v0 =	vmul.f32 v1, v6  }
0x46: {  	v4 =	vld [tilespmem:s29+$0x7760];
	v6 =	vmul.f32 v8, v7  }
0x47: {  	s30 =	simm.s32 $0x80;
	[tilespmem:s29+$0x9F20] =	vst v0;
	v0 =	vld [tilespmem:s29+$0x4F60]  }
0x48: {  	s31 =	simm.s32 $0x400;
	v5 =	vmul.f32 v9, v5;
	v1 =	vld [tilespmem:s30+$0x4F70];
	[tilespmem:s29+$0x9F30] =	vst v6  }
.LBB2_3:
0x49: {  	p1 =	sne.s32 s31, $0x4E00;
	v6 =	vld [tilespmem:s30+$0x7770]  }
0x4a: {  	v7 =	vld [tilespmem:s30+$0x4F00];
	[tilespmem:s29+$0x9F40] =	vst v5;
	v2 =	vmul.f32 v3, v2  }
0x4b: {  	v3 =	vld [tilespmem:s30+$0x7700]  }
0x4c: {  	v5 =	vld [tilespmem:s30+$0x4F10];
	[tilespmem:s29+$0x9F50] =	vst v2;
	v0 =	vmul.f32 v4, v0  }
0x4d: {  	v2 =	vld [tilespmem:s30+$0x7710]  }
0x4e: {  	v4 =	vld [tilespmem:s30+$0x4F20];
	v1 =	vmul.f32 v6, v1;
	[tilespmem:s29+$0x9F60] =	vst v0;
	s29 =	smov.u32 s30  }
0x4f: {  	v0 =	vld [tilespmem:s29+$0x7720]  }
0x50: {  	v3 =	vmul.f32 v3, v7;
	v6 =	vld [tilespmem:s29+$0x4F30];
	[tilespmem:s29+$0x9F70] =	vst v1  }
0x51: {  	v1 =	vld [tilespmem:s29+$0x7730]  }
0x52: {  	[tilespmem:s29+$0x9F00] =	vst v3;
	v2 =	vmul.f32 v2, v5;
	v5 =	vld [tilespmem:s29+$0x4F40]  }
0x53: {  	v7 =	vld [tilespmem:s29+$0x7740]  }
.Ltmp2:
0x54: {  	[tilespmem:s29+$0x9F10] =	vst v2;
	v0 =	vmul.f32 v0, v4;
	v2 =	vld [tilespmem:s29+$0x4F50];
	(pc) =	sbr.rel @p1 .LBB2_3-.Ltmp2, $4  }
0x55: {  	v3 =	vld [tilespmem:s29+$0x7750]  }
0x56: {  	[tilespmem:s29+$0x9F20] =	vst v0;
	v6 =	vmul.f32 v1, v6;
	v0 =	vld [tilespmem:s29+$0x4F60]  }
0x57: {  	s30 =	sshra.s32 s31, $0x2;
	v4 =	vld [tilespmem:s29+$0x7760]  }
0x58: {  	s31 =	sadd.s32 $0x200, s31;
	v1 =	vld [tilespmem:s30+$0x4F70];
	[tilespmem:s29+$0x9F30] =	vst v6;
	v5 =	vmul.f32 v7, v5  }
0x59: {  	v6 =	vld [tilespmem:s30+$0x7770]  }
0x5a: {  	v7 =	vld [tilespmem:s30+$0x4F00];
	[tilespmem:s29+$0x9F40] =	vst v5;
	v2 =	vmul.f32 v3, v2  }
0x5b: {  	v3 =	vld [tilespmem:s30+$0x7700]  }
0x5c: {  	v5 =	vld [tilespmem:s30+$0x4F10];
	[tilespmem:s29+$0x9F50] =	vst v2;
	v0 =	vmul.f32 v4, v0  }
0x5d: {  	v2 =	vld [tilespmem:s30+$0x7710]  }
0x5e: {  	v4 =	vld [tilespmem:s30+$0x4F20];
	[tilespmem:s29+$0x9F60] =	vst v0  }
0x5f: {  	v0 =	vmul.f32 v6, v1;
	v1 =	vld [tilespmem:s30+$0x7720]  }
0x60: {  	v6 =	vld [tilespmem:s30+$0x4F30]  }
0x61: {  	v3 =	vmul.f32 v3, v7;
	[tilespmem:s30+$0x9F70] =	vst v0;
	v0 =	vld [tilespmem:s30+$0x7730]  }
0x62: {  	v7 =	vld [tilespmem:s30+$0x7760]  }
0x63: {  	[tilespmem:s30+$0x9F00] =	vst v3;
	v2 =	vmul.f32 v2, v5;
	v3 =	vld [tilespmem:s30+$0x4F40]  }
0x64: {  	v5 =	vld [tilespmem:s30+$0x7740]  }
0x65: {  	[tilespmem:s30+$0x9F10] =	vst v2;
	v1 =	vmul.f32 v1, v4;
	v2 =	vld [tilespmem:s30+$0x4F50]  }
0x66: {  	v4 =	vld [tilespmem:s30+$0x7750]  }
0x67: {  	[tilespmem:s30+$0x9F20] =	vst v1;
	v1 =	vld [tilespmem:s30+$0x4F60];
	_ =	sdelay $0x1  }
0x68: {  	v0 =	vmul.f32 v0, v6  }
0x69: {  	v3 =	vmul.f32 v5, v3  }
0x6a: {  	s1 =	smul.u32 $0x140, s28;
	[tilespmem:s30+$0x9F30] =	vst v0;
	v0 =	vmul.f32 v4, v2  }
0x6b: {  	[tilespmem:s30+$0x9F40] =	vst v3;
	v1 =	vmul.f32 v7, v1  }
0x6c: {  	s29 =	sshra.s32 s1, $0x2;
	[tilespmem:s30+$0x9F50] =	vst v0  }
0x6d: {  	p1 =	seq.s32 s28, $0x7C;
	s1 =	sadd.s32 $0x2780, s29;
	[tilespmem:s30+$0x9F60] =	vst v1  }
0x6e: {  	[spmem:s2] =	stream.indirect.scatter.add.f32 [tilespmem:s23], [sflag:$0x5], $0x80, s1, s16, $0xb8;
	[tilespmem:$0x1EB80] =	vst v63  }
0x6f: {  	s1 =	smul.u32 @!p1 $0x50, s28;
	_ =	swait.ge [sflag:s14], $0x1400  }
0x70: {  	s31 =	simm.s32 @!p1 $0x4F00;
	[sflag:s14] =	ssyncset.done $0x0  }
0x71: {  	s30 =	simm.s32 @!p1 $0x28;
	s1 =	sadd.s32 @!p1 $0x50, s1;
	[sflag:s14] =	ssyncadd.s32 $0xFFFFEC00  }
0x72: {  	[tilespmem:s31], [sflag:$0x1] =	stream.indirect.gather @!p1 [hbm4b:s0+s30], $0x80, s1, s30, $0xb8;
	[tilespmem:$0x1EB80] =	vst v63  }
0x73: {  	s1 =	sadd.s32 @!p1 s6, s1  }
0x74: {  	s1 =	sshll.u32 @!p1 s1, $0x4  }
0x75: {  	s30 =	simm.s32 @!p1 $0x0;
	s31 =	simm.s32 @!p1 $0x7700;
	s1 =	sadd.s32 @!p1 s4, s1  }
0x76: {  	[tilespmem:s31], [sflag:$0x3] =	stream.linear.gather @!p1 [hbm4b:s1+s30], $0x1400, $0x38;
	[tilespmem:$0x1EB80] =	vst v63  }
0x77: {  	_ =	swait.ge [sflag:s24], $0x1400  }
0x78: {  	[sflag:s24] =	ssyncset.done $0x0  }
0x79: {  	[sflag:s24] =	ssyncadd.s32 $0xFFFFEC00  }
0x7a: {  	_ =	swait.ge [sflag:s25], $0x1400  }
0x7b: {  	[sflag:s25] =	ssyncset.done $0x0  }
0x7c: {  	s30 =	simm.s32 $0x0;
	[sflag:s25] =	ssyncadd.s32 $0xFFFFEC00  }
0x7d: {  	v0 =	vld [tilespmem:s30+$0x6370]  }
0x7e: {  	v1 =	vld [tilespmem:s30+$0x8B70]  }
0x7f: {  	v2 =	vld [tilespmem:s30+$0x6300]  }
0x80: {  	v3 =	vld [tilespmem:s30+$0x8B00]  }
0x81: {  	v4 =	vld [tilespmem:s30+$0x6310]  }
0x82: {  	v5 =	vld [tilespmem:s30+$0x8B10]  }
0x83: {  	v6 =	vld [tilespmem:s30+$0x6320]  }
0x84: {  	v7 =	vld [tilespmem:s30+$0x6330]  }
0x85: {  	v0 =	vmul.f32 v1, v0;
	v1 =	vld [tilespmem:s30+$0x8B20]  }
0x86: {  	v8 =	vld [tilespmem:s30+$0x8B30]  }
0x87: {  	v9 =	vld [tilespmem:s30+$0x8B40];
	v2 =	vmul.f32 v3, v2  }
0x88: {  	[tilespmem:s30+$0x9F70] =	vst v0;
	v0 =	vmul.f32 v5, v4;
	v5 =	vld [tilespmem:s30+$0x6340]  }
0x89: {  	v3 =	vld [tilespmem:s30+$0x8B50];
	[tilespmem:s30+$0x9F00] =	vst v2  }
0x8a: {  	v2 =	vld [tilespmem:s30+$0x6350];
	[tilespmem:s30+$0x9F10] =	vst v0;
	v0 =	vmul.f32 v1, v6  }
0x8b: {  	v4 =	vld [tilespmem:s30+$0x8B60];
	v6 =	vmul.f32 v8, v7  }
0x8c: {  	s31 =	simm.s32 $0x80;
	[tilespmem:s30+$0x9F20] =	vst v0;
	v0 =	vld [tilespmem:s30+$0x6360]  }
0x8d: {  	s1 =	simm.s32 $0x400;
	v5 =	vmul.f32 v9, v5;
	v1 =	vld [tilespmem:s31+$0x6370];
	[tilespmem:s30+$0x9F30] =	vst v6  }
.LBB2_5:
0x8e: {  	p2 =	sne.s32 s1, $0x4E00;
	v6 =	vld [tilespmem:s31+$0x8B70]  }
0x8f: {  	v7 =	vld [tilespmem:s31+$0x6300];
	[tilespmem:s30+$0x9F40] =	vst v5;
	v2 =	vmul.f32 v3, v2  }
0x90: {  	v3 =	vld [tilespmem:s31+$0x8B00]  }
0x91: {  	v5 =	vld [tilespmem:s31+$0x6310];
	[tilespmem:s30+$0x9F50] =	vst v2;
	v0 =	vmul.f32 v4, v0  }
0x92: {  	v2 =	vld [tilespmem:s31+$0x8B10]  }
0x93: {  	v4 =	vld [tilespmem:s31+$0x6320];
	v1 =	vmul.f32 v6, v1;
	[tilespmem:s30+$0x9F60] =	vst v0;
	s30 =	smov.u32 s31  }
0x94: {  	v0 =	vld [tilespmem:s30+$0x8B20]  }
0x95: {  	v3 =	vmul.f32 v3, v7;
	v6 =	vld [tilespmem:s30+$0x6330];
	[tilespmem:s30+$0x9F70] =	vst v1  }
0x96: {  	v1 =	vld [tilespmem:s30+$0x8B30]  }
0x97: {  	[tilespmem:s30+$0x9F00] =	vst v3;
	v2 =	vmul.f32 v2, v5;
	v5 =	vld [tilespmem:s30+$0x6340]  }
0x98: {  	v7 =	vld [tilespmem:s30+$0x8B40]  }
.Ltmp3:
0x99: {  	[tilespmem:s30+$0x9F10] =	vst v2;
	v0 =	vmul.f32 v0, v4;
	v2 =	vld [tilespmem:s30+$0x6350];
	(pc) =	sbr.rel @p2 .LBB2_5-.Ltmp3, $4  }
0x9a: {  	v3 =	vld [tilespmem:s30+$0x8B50]  }
0x9b: {  	[tilespmem:s30+$0x9F20] =	vst v0;
	v6 =	vmul.f32 v1, v6;
	v0 =	vld [tilespmem:s30+$0x6360]  }
0x9c: {  	s31 =	sshra.s32 s1, $0x2;
	v4 =	vld [tilespmem:s30+$0x8B60]  }
0x9d: {  	s1 =	sadd.s32 $0x200, s1;
	v1 =	vld [tilespmem:s31+$0x6370];
	[tilespmem:s30+$0x9F30] =	vst v6;
	v5 =	vmul.f32 v7, v5  }
0x9e: {  	v6 =	vld [tilespmem:s31+$0x8B70]  }
0x9f: {  	v7 =	vld [tilespmem:s31+$0x6300];
	[tilespmem:s30+$0x9F40] =	vst v5;
	v2 =	vmul.f32 v3, v2  }
0xa0: {  	v51 =	vld [tilespmem:s31+$0x8B00]  }
0xa1: {  	v5 =	vld [tilespmem:s31+$0x6310];
	[tilespmem:s30+$0x9F50] =	vst v2;
	v0 =	vmul.f32 v4, v0  }
0xa2: {  	v2 =	vld [tilespmem:s31+$0x8B10]  }
0xa3: {  	v52 =	vld [tilespmem:s31+$0x6320];
	[tilespmem:s30+$0x9F60] =	vst v0  }
0xa4: {  	v54 =	vld [tilespmem:s31+$0x8B20]  }
0xa5: {  	v55 =	vld [tilespmem:s31+$0x6330]  }
0xa6: {  	v56 =	vld [tilespmem:s31+$0x8B30]  }
0xa7: {  	v57 =	vld [tilespmem:s31+$0x6340]  }
0xa8: {  	v58 =	vld [tilespmem:s31+$0x8B40]  }
0xa9: {  	v59 =	vld [tilespmem:s31+$0x6350]  }
0xaa: {  	v53 =	vmul.f32 v6, v1;
	v60 =	vld [tilespmem:s31+$0x8B50]  }
0xab: {  	v61 =	vld [tilespmem:s31+$0x6360];
	v3 =	vmul.f32 v51, v7  }
0xac: {  	v62 =	vld [tilespmem:s31+$0x8B60];
	[tilespmem:s31+$0x9F70] =	vst v53;
	v2 =	vmul.f32 v2, v5  }
0xad: {  	[tilespmem:s31+$0x9F00] =	vst v3;
	v1 =	vmul.f32 v54, v52  }
0xae: {  	[tilespmem:s31+$0x9F10] =	vst v2;
	v0 =	vmul.f32 v56, v55  }
0xaf: {  	v3 =	vmul.f32 v58, v57;
	[tilespmem:s31+$0x9F20] =	vst v1  }
0xb0: {  	v63 =	vmul.f32 v60, v59;
	[tilespmem:s31+$0x9F30] =	vst v0  }
0xb1: {  	[tilespmem:s31+$0x9F40] =	vst v3;
	v1 =	vmul.f32 v62, v61  }
0xb2: {  	[tilespmem:s31+$0x9F50] =	vst v63  }
.Ltmp4:
0xb3: {  	s1 =	sadd.s32 $0x27A8, s29;
	[tilespmem:s31+$0x9F60] =	vst v1;
	(pc) =	sbr.rel @p1 .LBB2_8-.Ltmp4, $4  }
0xb4: {  	[spmem:s2] =	stream.indirect.scatter.add.f32 [tilespmem:s23], [sflag:$0x5], $0x80, s1, s16, $0xb8;
	[tilespmem:$0x1EB80] =	vst v63  }
0xb5: {  	_ =	swait.ge [sflag:s14], $0x1400  }
0xb6: {  	[sflag:s14] =	ssyncset.done $0x0  }
0xb7: {  	[sflag:s14] =	ssyncadd.s32 $0xFFFFEC00  }
0xb8: {  	s1 =	smul.u32 $0x50, s28;
	_ =	sdelay $0x1  }
0xb9: {  	s1 =	sadd.s32 $0x78, s1  }
0xba: {  	[tilespmem:s19], [sflag:$0x2] =	stream.indirect.gather [hbm4b:s0+s16], $0x80, s1, s16, $0xb8;
	[tilespmem:$0x1EB80] =	vst v63  }
.Ltmp5:
0xbb: {  	_ = 	snop;
	(pc) =	sbr.rel .LBB2_2-.Ltmp5, $4  }
0xbc: {  	s1 =	sadd.s32 s6, s1  }
0xbd: {  	s1 =	sshll.u32 s1, $0x4  }
0xbe: {  	s28 =	sadd.s32 $0x1, s28;
	s1 =	sadd.s32 s4, s1  }
0xbf: {  	[tilespmem:s20], [sflag:$0x4] =	stream.linear.gather [hbm4b:s1+s3], $0x1400, $0x38;
	[tilespmem:$0x1EB80] =	vst v63  }
.LBB2_9:
0xc0: {  	_ =	sfence.sel $0x180000  }
0xc1: {  	[bflag:$0x0] =	sbarrier.arrive $0xFFFF  }
0xc2: {  	_ =	strace $0x90000047  }
0xc3: {  	[bflag:$0x2] =	sbarrier.arrive $0xFFFF  }
0xc4: {  	s0 =	rddreg [dreg:$0x5]  }
0xc5: {  	s0 =	sadd.s32 @!p0 $0x100000, s0  }
0xc6: {  	[sflag:s0] =	ssyncadd.tile.s32 @!p0 $0x1;
	_ =	shalt  }
.Lfunc_end2:
_tile_overlayer_lowered:
.L_overlay_start_2:
0xc7: {  	(tag) =	ssettag $0x2  }
0xc8: {  	s0 =	rddreg [dreg:$0x0];
	s2 =	stileid.u32  }
0xc9: {  	s1 =	rddreg [dreg:$0x1];
	p0 =	sne.s32 s2, $0x0  }
0xca: {  	s3 =	rddreg [dreg:$0x2];
	[bflag:$0x3] =	sbarrier.arrive $0xFFFF;
	s2 =	simm.s32 @!p0 $0x1C05  }
0xcb: {  	[timem:s3], [sflag:s2] =	dma.local @!p0 [hbm:s0], s1  }
0xcc: {  	s0 =	simm.s32 @!p0 $0x5  }
0xcd: {  	_ =	swait.ge @!p0 [sflag:s0], s1  }
0xce: {  	s1 =	ssub.s32 @!p0 $0x0, s1;
	[sflag:s0] =	ssyncset.done @!p0 $0x0  }
0xcf: {  	[sflag:s0] =	ssyncadd.s32 @!p0 s1  }
0xd0: {  	[bflag:$0x3] =	sbarrier.arrive $0xFFFF  }
0xd1: {  	_ =	shalt  }

</sc_bundles>
